<compile_context>
chip_gen: v7x
topology: tpu7x:2x2x1
jax: 0.10.2.dev20260603
libtpu: 0.0.44.dev20260713+nightly
codegen_flags: <defaults>
</compile_context>

<pallas_src>
import functools

import jax
import jax.numpy as jnp
from jax import lax
from jax.experimental import pallas as pl
from jax.experimental.pallas import tpu as pltpu
from jax.experimental.pallas import tpu_sc as plsc

_N = 10000
_E = 320000
_D = 128
_G = 64

_NC = 2
_NS = 16
_NW = _NC * _NS
_CHUNK = 128
_CT = 80
_EPT = _CT * _CHUNK
_EPAD = _NW * _EPT
_NACC = 10112
_ZROWS = _NACC // _NS
_OROWS = _NACC // _NS

_BN = 2000
_NBLK = _N // _BN


@functools.cache
def _make_sc_agg():
    mesh = plsc.VectorSubcoreMesh(core_axis_name="c", subcore_axis_name="s")

    @functools.partial(
        pl.kernel,
        mesh=mesh,
        out_type=jax.ShapeDtypeStruct((_NC, _NACC, _D), jnp.float32),
        scratch_types=[
            pltpu.VMEM((_EPT // 128, 128), jnp.int32),
            pltpu.VMEM((_CHUNK,), jnp.int32),
            pltpu.VMEM((_CHUNK,), jnp.int32),
            pltpu.VMEM((_CHUNK,), jnp.int32),
            pltpu.VMEM((_CHUNK,), jnp.int32),
            pltpu.VMEM((_CHUNK, _D), jnp.float32),
            pltpu.VMEM((_CHUNK, _D), jnp.float32),
            pltpu.VMEM_SHARED((_NACC, _D), jnp.float32),
            pltpu.SemaphoreType.DMA,
            pltpu.SemaphoreType.DMA,
        ],
    )
    def agg(feat_hbm, edge_hbm, zeros_hbm, out_hbm,
            pk_v, src0_v, src1_v, dst0_v, dst1_v, rows0_v, rows1_v,
            acc_sh, gsem, ssem):
        c = lax.axis_index("c")
        s = lax.axis_index("s")
        wid = c * _NS + s
        srcs = (src0_v, src1_v)
        dsts = (dst0_v, dst1_v)
        rows = (rows0_v, rows1_v)

        def unpack(chunk, buf):
            for q in range(_CHUNK // 128):
                for k in range(8):
                    p = pk_v[chunk * (_CHUNK // 128) + q, pl.ds(k * 16, 16)]
                    col = pl.ds(q * 128 + k * 16, 16)
                    srcs[buf][col] = lax.bitwise_and(p, 0xFFFF)
                    dsts[buf][col] = lax.shift_right_logical(p, 16)

        def gather(buf):
            return pltpu.make_async_copy(
                feat_hbm.at[srcs[buf]], rows[buf], gsem)

        def scatter(buf):
            return pltpu.make_async_copy(
                rows[buf], acc_sh.at[dsts[buf]], ssem)

        pltpu.sync_copy(zeros_hbm.at[pl.ds(s * _ZROWS, _ZROWS)],
                        acc_sh.at[pl.ds(s * _ZROWS, _ZROWS)])
        pltpu.sync_copy(edge_hbm.at[wid], pk_v)
        unpack(jnp.int32(0), 0)
        gather(0).start()
        plsc.subcore_barrier()

        def group(g, carry):
            for par in range(2):
                j = g * 2 + par
                @pl.when(j >= 1)
                def _wait_prev_scatter():
                    scatter(1 - par).wait()

                @pl.when(j + 1 < _CT)
                def _prep_next():
                    unpack(j + 1, 1 - par)
                    gather(1 - par).start()

                gather(par).wait()
                pltpu.async_copy(
                    rows[par], acc_sh.at[dsts[par]], ssem, add=True)
            return carry

        lax.fori_loop(0, _CT // 2, group, 0, unroll=False)
        scatter((_CT - 1) % 2).wait()

        plsc.subcore_barrier()
        pltpu.sync_copy(acc_sh.at[pl.ds(s * _OROWS, _OROWS)],
                        out_hbm.at[c, pl.ds(s * _OROWS, _OROWS)])

    return agg


def _sc_agg(feat, packed, zrows):
    return _make_sc_agg()(feat, packed, zrows)


def _mlp_body(x_ref, agg_ref, wa_ref, ba_ref, wb_ref, bb_ref, out_ref):
    h = x_ref[...] + agg_ref[0] + agg_ref[1]
    h = jnp.dot(h, wa_ref[...], preferred_element_type=jnp.float32) + ba_ref[...]
    h = jnp.maximum(h, 0.0)
    h = jnp.dot(h, wb_ref[...], preferred_element_type=jnp.float32) + bb_ref[...]
    out_ref[...] = jnp.maximum(h, 0.0)


def _tc_mlp1(x, agg, wa, ba, wb, bb):
    blk = lambda i: (i, 0)
    full = lambda i: (0, 0)
    return pl.pallas_call(
        _mlp_body,
        grid=(_NBLK,),
        in_specs=[
            pl.BlockSpec((_BN, _D), blk),
            pl.BlockSpec((_NC, _BN, _D), lambda i: (0, i, 0)),
            pl.BlockSpec((_D, _D), full),
            pl.BlockSpec((1, _D), full),
            pl.BlockSpec((_D, _D), full),
            pl.BlockSpec((1, _D), full),
        ],
        out_specs=pl.BlockSpec((_BN, _D), blk),
        out_shape=jax.ShapeDtypeStruct((_N, _D), jnp.float32),
    )(x, agg, wa, ba, wb, bb)


def _mlp_pool_body(batch_ref, x_ref, agg_ref, wa_ref, ba_ref, wb_ref,
                   bb_ref, out_ref, pool_ref):
    i = pl.program_id(0)
    h = x_ref[...] + agg_ref[0] + agg_ref[1]
    h = jnp.dot(h, wa_ref[...], preferred_element_type=jnp.float32) + ba_ref[...]
    h = jnp.maximum(h, 0.0)
    h = jnp.dot(h, wb_ref[...], preferred_element_type=jnp.float32) + bb_ref[...]
    out_ref[...] = h
    b = batch_ref[0, 0, :]
    onehot = (b[:, None] == lax.broadcasted_iota(jnp.int32, (_BN, _G), 1))
    contrib = lax.dot_general(onehot.astype(jnp.float32), h,
                              (((0,), (0,)), ((), ())),
                              preferred_element_type=jnp.float32)

    @pl.when(i == 0)
    def _init():
        pool_ref[...] = jnp.zeros_like(pool_ref)

    pool_ref[...] += contrib


def _tc_mlp2_pool(batch3, x, agg, wa, ba, wb, bb):
    blk = lambda i: (i, 0)
    full = lambda i: (0, 0)
    return pl.pallas_call(
        _mlp_pool_body,
        grid=(_NBLK,),
        in_specs=[
            pl.BlockSpec((1, 1, _BN), lambda i: (i, 0, 0)),
            pl.BlockSpec((_BN, _D), blk),
            pl.BlockSpec((_NC, _BN, _D), lambda i: (0, i, 0)),
            pl.BlockSpec((_D, _D), full),
            pl.BlockSpec((1, _D), full),
            pl.BlockSpec((_D, _D), full),
            pl.BlockSpec((1, _D), full),
        ],
        out_specs=[
            pl.BlockSpec((_BN, _D), blk),
            pl.BlockSpec((_G, _D), full),
        ],
        out_shape=[
            jax.ShapeDtypeStruct((_N, _D), jnp.float32),
            jax.ShapeDtypeStruct((_G, _D), jnp.float32),
        ],
    )(batch3, x, agg, wa, ba, wb, bb)


def kernel(x, edge_index, batch, W1a, b1a, W1b, b1b, W2a, b2a, W2b, b2b):
    src = edge_index[0]
    dst = edge_index[1]
    pad = _EPAD - _E
    pad_src = jnp.arange(pad, dtype=jnp.int32) % _N
    pad_dst = _N + (jnp.arange(pad, dtype=jnp.int32) % (_NACC - _N))
    srcp = jnp.concatenate([src, pad_src])
    dstp = jnp.concatenate([dst, pad_dst])
    packed = jnp.bitwise_or(srcp, jnp.left_shift(dstp, 16))
    packed = packed.reshape(_NW, _EPT // 128, 128)
    zrows = jnp.zeros((_NACC, _D), jnp.float32)

    ba1 = b1a.reshape(1, _D)
    bb1 = b1b.reshape(1, _D)
    ba2 = b2a.reshape(1, _D)
    bb2 = b2b.reshape(1, _D)

    agg1 = _sc_agg(x, packed, zrows)
    h1 = _tc_mlp1(x, agg1, W1a, ba1, W1b, bb1)
    agg2 = _sc_agg(h1, packed, zrows)
    batch3 = batch.reshape(_NBLK, 1, _BN)
    h2, pooled = _tc_mlp2_pool(batch3, h1, agg2, W2a, ba2, W2b, bb2)
    return (pooled, h2)

# --- scband reference (transcript-rebuilt; emitter-appended) ---
"""Pipeline reference for scband-gin-44925357916335 (READ-ONLY COPY).

The authoritative reference and input builder live on the scoring server;
editing this copy changes nothing except your own understanding.
"""

import jax, jax.numpy as jnp
import numpy as np

N = 10000
E = 320000
D = 128
H = 128
O = 128
G = 64

def setup_inputs(seed: int = 0):
    key = jax.random.key(seed)
    ks = jax.random.split(key, 12)
    x = jax.random.normal(ks[0], (N, D), dtype=jnp.float32)
    edge_index = jax.random.randint(ks[1], (2, E), 0, N, dtype=jnp.int32)
    batch = jnp.sort(jax.random.randint(ks[2], (N,), 0, G, dtype=jnp.int32))
    s = 0.05
    W1a = jax.random.normal(ks[3], (D, H), dtype=jnp.float32) * s
    b1a = jnp.zeros((H,), dtype=jnp.float32)
    W1b = jax.random.normal(ks[4], (H, H), dtype=jnp.float32) * s
    b1b = jnp.zeros((H,), dtype=jnp.float32)
    W2a = jax.random.normal(ks[5], (H, H), dtype=jnp.float32) * s
    b2a = jnp.zeros((H,), dtype=jnp.float32)
    W2b = jax.random.normal(ks[6], (H, O), dtype=jnp.float32) * s
    b2b = jnp.zeros((O,), dtype=jnp.float32)
    return {"x": x, "edge_index": edge_index, "batch": batch,
            "W1a": W1a, "b1a": b1a, "W1b": W1b, "b1b": b1b,
            "W2a": W2a, "b2a": b2a, "W2b": W2b, "b2b": b2b}

def _gin_conv(x, edge_index, Wa, ba, Wb, bb, eps=0.0):
    # GINConv: nn((1 + eps) * x + sum_{j in N(i)} x_j)
    src = edge_index[0]
    dst = edge_index[1]
    agg = jnp.zeros_like(x).at[dst].add(x[src])
    h = (1.0 + eps) * x + agg
    h = jnp.maximum(h @ Wa + ba, 0.0)
    h = h @ Wb + bb
    return h

def reference(x, edge_index, batch, W1a, b1a, W1b, b1b, W2a, b2a, W2b, b2b):
    h = _gin_conv(x, edge_index, W1a, b1a, W1b, b1b)
    h = jax.nn.relu(h)
    # dropout p=0.5 is identity in eval mode
    h = _gin_conv(h, edge_index, W2a, b2a, W2b, b2b)
    pooled = jax.ops.segment_sum(h, batch, num_segments=G)
    return (pooled, h)

if __name__ == "__main__":
    import jax
    _d = setup_inputs()
    print(jax.jit(kernel)(*tuple(_d.values())))

</pallas_src>

<mosaic_0001>
#map = affine_map<(d0, d1) -> (0, 0)>
#map1 = affine_map<(d0, d1) -> (0, 0, 0)>
module attributes {stable_mosaic.version = 14 : i64} {
  func.func @agg(%arg0: i32, %arg1: i32, %arg2: memref<10000x128xf32, #tpu.memory_space<hbm>>, %arg3: memref<32x80x128xi32, #tpu.memory_space<hbm>>, %arg4: memref<10112x128xf32, #tpu.memory_space<hbm>>, %arg5: memref<2x10112x128xf32, #tpu.memory_space<hbm>>, %arg6: memref<80x128xi32, #tpu.memory_space<vmem>>, %arg7: memref<128xi32, #tpu.memory_space<vmem>>, %arg8: memref<128xi32, #tpu.memory_space<vmem>>, %arg9: memref<128xi32, #tpu.memory_space<vmem>>, %arg10: memref<128xi32, #tpu.memory_space<vmem>>, %arg11: memref<128x128xf32, #tpu.memory_space<vmem>>, %arg12: memref<128x128xf32, #tpu.memory_space<vmem>>, %arg13: memref<10112x128xf32, #tpu.memory_space<vmem_shared>>, %arg14: memref<!tpu.dma_semaphore, #tpu.memory_space<semaphore_mem>>, %arg15: memref<!tpu.dma_semaphore, #tpu.memory_space<semaphore_mem>>) attributes {dimension_semantics = [#tpu.dimension_semantics<core_parallel>, #tpu.dimension_semantics<subcore_parallel>], iteration_bounds = array<i64: 2, 16>, scalar_prefetch = 0 : i64, scratch_operands = 10 : i64, tpu.core_type = #tpu.core_type<sc_vector_subcore>, window_params = [{transform_indices = #map}, {transform_indices = #map1}, {transform_indices = #map}, {transform_indices = #map1}]} {
    %mul3A = arith.constant 16 : i32
    %mul3A_0 = arith.muli %arg0, %mul3A : i32
    %add3A = arith.addi %mul3A_0, %arg1 : i32
    %mul3A_1 = arith.constant 632 : i32
    %mul3A_2 = arith.muli %arg1, %mul3A_1 : i32
    %mul3A_3 = arith.constant 632 : i32
    %mul3A_4 = arith.muli %arg1, %mul3A_3 : i32
    "tpu.region"() ({
      %run_scoped3A = tpu.sem_alloc : memref<!tpu.dma_semaphore, #tpu.memory_space<semaphore_mem>>
      %dma_start3A_199 = arith.constant 0 : i32
      %dma_start3A_200 = tpu.memref_slice %arg13[%mul3A_4, %dma_start3A_199] : memref<10112x128xf32, #tpu.memory_space<vmem_shared>> -> memref<632x128xf32, #tpu.memory_space<vmem_shared>>
      %dma_start3A_201 = arith.constant 0 : i32
      %dma_start3A_202 = tpu.memref_slice %arg4[%mul3A_2, %dma_start3A_201] : memref<10112x128xf32, #tpu.memory_space<hbm>> -> memref<632x128xf32, #tpu.memory_space<hbm>>
      tpu.enqueue_dma source(%dma_start3A_202 : memref<632x128xf32, #tpu.memory_space<hbm>>) target(%dma_start3A_200 : memref<632x128xf32, #tpu.memory_space<vmem_shared>>) target_semaphore(%run_scoped3A : memref<!tpu.dma_semaphore, #tpu.memory_space<semaphore_mem>>)
      %dma_wait3A_203 = arith.constant 0 : i32
      %dma_wait3A_204 = tpu.memref_slice %arg13[%mul3A_4, %dma_wait3A_203] : memref<10112x128xf32, #tpu.memory_space<vmem_shared>> -> memref<632x128xf32, #tpu.memory_space<vmem_shared>>
      %dma_wait3A_205 = arith.constant 0 : i32
      %dma_wait3A_206 = tpu.memref_slice %arg4[%mul3A_2, %dma_wait3A_205] : memref<10112x128xf32, #tpu.memory_space<hbm>> -> memref<632x128xf32, #tpu.memory_space<hbm>>
      tpu.wait_dma2 semaphore(%run_scoped3A : memref<!tpu.dma_semaphore, #tpu.memory_space<semaphore_mem>>) src(%dma_wait3A_206 : memref<632x128xf32, #tpu.memory_space<hbm>>) dst(%dma_wait3A_204 : memref<632x128xf32, #tpu.memory_space<vmem_shared>>)
      tpu.yield
    }) : () -> ()
    "tpu.region"() ({
      %run_scoped3A = tpu.sem_alloc : memref<!tpu.dma_semaphore, #tpu.memory_space<semaphore_mem>>
      %dma_start3A_199 = arith.constant 0 : i32
      %dma_start3A_200 = arith.constant 0 : i32
      %dma_start3A_201 = tpu.memref_slice %arg3[%add3A, %dma_start3A_199, %dma_start3A_200] : memref<32x80x128xi32, #tpu.memory_space<hbm>> -> memref<1x80x128xi32, #tpu.memory_space<hbm>>
      %dma_start3A_202 = tpu.memref_squeeze %dma_start3A_201 : memref<1x80x128xi32, #tpu.memory_space<hbm>> -> memref<80x128xi32, #tpu.memory_space<hbm>>
      %dma_start3A_203 = arith.constant 0 : i32
      %dma_start3A_204 = arith.constant 0 : i32
      %dma_start3A_205 = tpu.memref_slice %arg3[%add3A, %dma_start3A_203, %dma_start3A_204] : memref<32x80x128xi32, #tpu.memory_space<hbm>> -> memref<1x80x128xi32, #tpu.memory_space<hbm>>
      %dma_start3A_206 = tpu.memref_squeeze %dma_start3A_205 : memref<1x80x128xi32, #tpu.memory_space<hbm>> -> memref<80x128xi32, #tpu.memory_space<hbm>>
      tpu.enqueue_dma source(%dma_start3A_206 : memref<80x128xi32, #tpu.memory_space<hbm>>) target(%arg6 : memref<80x128xi32, #tpu.memory_space<vmem>>) target_semaphore(%run_scoped3A : memref<!tpu.dma_semaphore, #tpu.memory_space<semaphore_mem>>)
      %dma_wait3A_207 = arith.constant 0 : i32
      %dma_wait3A_208 = arith.constant 0 : i32
      %dma_wait3A_209 = tpu.memref_slice %arg3[%add3A, %dma_wait3A_207, %dma_wait3A_208] : memref<32x80x128xi32, #tpu.memory_space<hbm>> -> memref<1x80x128xi32, #tpu.memory_space<hbm>>
      %dma_wait3A_210 = tpu.memref_squeeze %dma_wait3A_209 : memref<1x80x128xi32, #tpu.memory_space<hbm>> -> memref<80x128xi32, #tpu.memory_space<hbm>>
      %dma_wait3A_211 = arith.constant 0 : i32
      %dma_wait3A_212 = arith.constant 0 : i32
      %dma_wait3A_213 = tpu.memref_slice %arg3[%add3A, %dma_wait3A_211, %dma_wait3A_212] : memref<32x80x128xi32, #tpu.memory_space<hbm>> -> memref<1x80x128xi32, #tpu.memory_space<hbm>>
      %dma_wait3A_214 = tpu.memref_squeeze %dma_wait3A_213 : memref<1x80x128xi32, #tpu.memory_space<hbm>> -> memref<80x128xi32, #tpu.memory_space<hbm>>
      tpu.wait_dma2 semaphore(%run_scoped3A : memref<!tpu.dma_semaphore, #tpu.memory_space<semaphore_mem>>) src(%dma_wait3A_214 : memref<80x128xi32, #tpu.memory_space<hbm>>) dst(%arg6 : memref<80x128xi32, #tpu.memory_space<vmem>>)
      tpu.yield
    }) : () -> ()
    %mul3A_5 = arith.constant 0 : i32
    %mul3A_6 = arith.constant 1 : i32
    %mul3A_7 = arith.muli %mul3A_5, %mul3A_6 : i32
    %add3A_8 = arith.constant 0 : i32
    %add3A_9 = arith.addi %mul3A_7, %add3A_8 : i32
    %get3A = arith.index_cast %add3A_9 : i32 to index
    %get3A_10 = arith.constant 0 : index
    %get3A_11 = tpu.vector_load %arg6[%get3A, %get3A_10] {strides = array<i32>} : memref<80x128xi32, #tpu.memory_space<vmem>>, vector<1x16xi32>,
    %get3A_12 = vector.shape_cast %get3A_11 : vector<1x16xi32> to vector<16xi32>
    %and3A = arith.constant 65535 : i32
    %and3A_13 = vector.broadcast %and3A : i32 to vector<16xi32>
    %and3A_14 = arith.andi %get3A_12, %and3A_13 : vector<16xi32>
    %swap3A = arith.constant 0 : index
    %swap3A_15 = tpu.vector_load %arg7[%swap3A] {strides = array<i32>} : memref<128xi32, #tpu.memory_space<vmem>>, vector<16xi32>,
    %swap3A_16 = vector.shape_cast %swap3A_15 : vector<16xi32> to vector<16xi32>
    %swap3A_17 = vector.shape_cast %and3A_14 : vector<16xi32> to vector<16xi32>
    tpu.vector_store %arg7[%swap3A], %swap3A_17 {strides = array<i32>} : memref<128xi32, #tpu.memory_space<vmem>>, vector<16xi32>,
    %shift_right_logical3A = arith.constant 16 : i32
    %shift_right_logical3A_18 = vector.broadcast %shift_right_logical3A : i32 to vector<16xi32>
    %shift_right_logical3A_19 = arith.shrui %get3A_12, %shift_right_logical3A_18 : vector<16xi32>
    %swap3A_20 = arith.constant 0 : index
    %swap3A_21 = tpu.vector_load %arg9[%swap3A_20] {strides = array<i32>} : memref<128xi32, #tpu.memory_space<vmem>>, vector<16xi32>,
    %swap3A_22 = vector.shape_cast %swap3A_21 : vector<16xi32> to vector<16xi32>
    %swap3A_23 = vector.shape_cast %shift_right_logical3A_19 : vector<16xi32> to vector<16xi32>
    tpu.vector_store %arg9[%swap3A_20], %swap3A_23 {strides = array<i32>} : memref<128xi32, #tpu.memory_space<vmem>>, vector<16xi32>,
    %mul3A_24 = arith.constant 0 : i32
    %mul3A_25 = arith.constant 1 : i32
    %mul3A_26 = arith.muli %mul3A_24, %mul3A_25 : i32
    %add3A_27 = arith.constant 0 : i32
    %add3A_28 = arith.addi %mul3A_26, %add3A_27 : i32
    %get3A_29 = arith.index_cast %add3A_28 : i32 to index
    %get3A_30 = arith.constant 16 : index
    %get3A_31 = tpu.vector_load %arg6[%get3A_29, %get3A_30] {strides = array<i32>} : memref<80x128xi32, #tpu.memory_space<vmem>>, vector<1x16xi32>,
    %get3A_32 = vector.shape_cast %get3A_31 : vector<1x16xi32> to vector<16xi32>
    %and3A_33 = arith.constant 65535 : i32
    %and3A_34 = vector.broadcast %and3A_33 : i32 to vector<16xi32>
    %and3A_35 = arith.andi %get3A_32, %and3A_34 : vector<16xi32>
    %swap3A_36 = arith.constant 16 : index
    %swap3A_37 = tpu.vector_load %arg7[%swap3A_36] {strides = array<i32>} : memref<128xi32, #tpu.memory_space<vmem>>, vector<16xi32>,
    %swap3A_38 = vector.shape_cast %swap3A_37 : vector<16xi32> to vector<16xi32>
    %swap3A_39 = vector.shape_cast %and3A_35 : vector<16xi32> to vector<16xi32>
    tpu.vector_store %arg7[%swap3A_36], %swap3A_39 {strides = array<i32>} : memref<128xi32, #tpu.memory_space<vmem>>, vector<16xi32>,
    %shift_right_logical3A_40 = arith.constant 16 : i32
    %shift_right_logical3A_41 = vector.broadcast %shift_right_logical3A_40 : i32 to vector<16xi32>
    %shift_right_logical3A_42 = arith.shrui %get3A_32, %shift_right_logical3A_41 : vector<16xi32>
    %swap3A_43 = arith.constant 16 : index
    %swap3A_44 = tpu.vector_load %arg9[%swap3A_43] {strides = array<i32>} : memref<128xi32, #tpu.memory_space<vmem>>, vector<16xi32>,
    %swap3A_45 = vector.shape_cast %swap3A_44 : vector<16xi32> to vector<16xi32>
    %swap3A_46 = vector.shape_cast %shift_right_logical3A_42 : vector<16xi32> to vector<16xi32>
    tpu.vector_store %arg9[%swap3A_43], %swap3A_46 {strides = array<i32>} : memref<128xi32, #tpu.memory_space<vmem>>, vector<16xi32>,
    %mul3A_47 = arith.constant 0 : i32
    %mul3A_48 = arith.constant 1 : i32
    %mul3A_49 = arith.muli %mul3A_47, %mul3A_48 : i32
    %add3A_50 = arith.constant 0 : i32
    %add3A_51 = arith.addi %mul3A_49, %add3A_50 : i32
    %get3A_52 = arith.index_cast %add3A_51 : i32 to index
    %get3A_53 = arith.constant 32 : index
    %get3A_54 = tpu.vector_load %arg6[%get3A_52, %get3A_53] {strides = array<i32>} : memref<80x128xi32, #tpu.memory_space<vmem>>, vector<1x16xi32>,
    %get3A_55 = vector.shape_cast %get3A_54 : vector<1x16xi32> to vector<16xi32>
    %and3A_56 = arith.constant 65535 : i32
    %and3A_57 = vector.broadcast %and3A_56 : i32 to vector<16xi32>
    %and3A_58 = arith.andi %get3A_55, %and3A_57 : vector<16xi32>
    %swap3A_59 = arith.constant 32 : index
    %swap3A_60 = tpu.vector_load %arg7[%swap3A_59] {strides = array<i32>} : memref<128xi32, #tpu.memory_space<vmem>>, vector<16xi32>,
    %swap3A_61 = vector.shape_cast %swap3A_60 : vector<16xi32> to vector<16xi32>
    %swap3A_62 = vector.shape_cast %and3A_58 : vector<16xi32> to vector<16xi32>
    tpu.vector_store %arg7[%swap3A_59], %swap3A_62 {strides = array<i32>} : memref<128xi32, #tpu.memory_space<vmem>>, vector<16xi32>,
    %shift_right_logical3A_63 = arith.constant 16 : i32
    %shift_right_logical3A_64 = vector.broadcast %shift_right_logical3A_63 : i32 to vector<16xi32>
    %shift_right_logical3A_65 = arith.shrui %get3A_55, %shift_right_logical3A_64 : vector<16xi32>
    %swap3A_66 = arith.constant 32 : index
    %swap3A_67 = tpu.vector_load %arg9[%swap3A_66] {strides = array<i32>} : memref<128xi32, #tpu.memory_space<vmem>>, vector<16xi32>,
    %swap3A_68 = vector.shape_cast %swap3A_67 : vector<16xi32> to vector<16xi32>
    %swap3A_69 = vector.shape_cast %shift_right_logical3A_65 : vector<16xi32> to vector<16xi32>
    tpu.vector_store %arg9[%swap3A_66], %swap3A_69 {strides = array<i32>} : memref<128xi32, #tpu.memory_space<vmem>>, vector<16xi32>,
    %mul3A_70 = arith.constant 0 : i32
    %mul3A_71 = arith.constant 1 : i32
    %mul3A_72 = arith.muli %mul3A_70, %mul3A_71 : i32
    %add3A_73 = arith.constant 0 : i32
    %add3A_74 = arith.addi %mul3A_72, %add3A_73 : i32
    %get3A_75 = arith.index_cast %add3A_74 : i32 to index
    %get3A_76 = arith.constant 48 : index
    %get3A_77 = tpu.vector_load %arg6[%get3A_75, %get3A_76] {strides = array<i32>} : memref<80x128xi32, #tpu.memory_space<vmem>>, vector<1x16xi32>,
    %get3A_78 = vector.shape_cast %get3A_77 : vector<1x16xi32> to vector<16xi32>
    %and3A_79 = arith.constant 65535 : i32
    %and3A_80 = vector.broadcast %and3A_79 : i32 to vector<16xi32>
    %and3A_81 = arith.andi %get3A_78, %and3A_80 : vector<16xi32>
    %swap3A_82 = arith.constant 48 : index
    %swap3A_83 = tpu.vector_load %arg7[%swap3A_82] {strides = array<i32>} : memref<128xi32, #tpu.memory_space<vmem>>, vector<16xi32>,
    %swap3A_84 = vector.shape_cast %swap3A_83 : vector<16xi32> to vector<16xi32>
    %swap3A_85 = vector.shape_cast %and3A_81 : vector<16xi32> to vector<16xi32>
    tpu.vector_store %arg7[%swap3A_82], %swap3A_85 {strides = array<i32>} : memref<128xi32, #tpu.memory_space<vmem>>, vector<16xi32>,
    %shift_right_logical3A_86 = arith.constant 16 : i32
    %shift_right_logical3A_87 = vector.broadcast %shift_right_logical3A_86 : i32 to vector<16xi32>
    %shift_right_logical3A_88 = arith.shrui %get3A_78, %shift_right_logical3A_87 : vector<16xi32>
    %swap3A_89 = arith.constant 48 : index
    %swap3A_90 = tpu.vector_load %arg9[%swap3A_89] {strides = array<i32>} : memref<128xi32, #tpu.memory_space<vmem>>, vector<16xi32>,
    %swap3A_91 = vector.shape_cast %swap3A_90 : vector<16xi32> to vector<16xi32>
    %swap3A_92 = vector.shape_cast %shift_right_logical3A_88 : vector<16xi32> to vector<16xi32>
    tpu.vector_store %arg9[%swap3A_89], %swap3A_92 {strides = array<i32>} : memref<128xi32, #tpu.memory_space<vmem>>, vector<16xi32>,
    %mul3A_93 = arith.constant 0 : i32
    %mul3A_94 = arith.constant 1 : i32
    %mul3A_95 = arith.muli %mul3A_93, %mul3A_94 : i32
    %add3A_96 = arith.constant 0 : i32
    %add3A_97 = arith.addi %mul3A_95, %add3A_96 : i32
    %get3A_98 = arith.index_cast %add3A_97 : i32 to index
    %get3A_99 = arith.constant 64 : index
    %get3A_100 = tpu.vector_load %arg6[%get3A_98, %get3A_99] {strides = array<i32>} : memref<80x128xi32, #tpu.memory_space<vmem>>, vector<1x16xi32>,
    %get3A_101 = vector.shape_cast %get3A_100 : vector<1x16xi32> to vector<16xi32>
    %and3A_102 = arith.constant 65535 : i32
    %and3A_103 = vector.broadcast %and3A_102 : i32 to vector<16xi32>
    %and3A_104 = arith.andi %get3A_101, %and3A_103 : vector<16xi32>
    %swap3A_105 = arith.constant 64 : index
    %swap3A_106 = tpu.vector_load %arg7[%swap3A_105] {strides = array<i32>} : memref<128xi32, #tpu.memory_space<vmem>>, vector<16xi32>,
    %swap3A_107 = vector.shape_cast %swap3A_106 : vector<16xi32> to vector<16xi32>
    %swap3A_108 = vector.shape_cast %and3A_104 : vector<16xi32> to vector<16xi32>
    tpu.vector_store %arg7[%swap3A_105], %swap3A_108 {strides = array<i32>} : memref<128xi32, #tpu.memory_space<vmem>>, vector<16xi32>,
    %shift_right_logical3A_109 = arith.constant 16 : i32
    %shift_right_logical3A_110 = vector.broadcast %shift_right_logical3A_109 : i32 to vector<16xi32>
    %shift_right_logical3A_111 = arith.shrui %get3A_101, %shift_right_logical3A_110 : vector<16xi32>
    %swap3A_112 = arith.constant 64 : index
    %swap3A_113 = tpu.vector_load %arg9[%swap3A_112] {strides = array<i32>} : memref<128xi32, #tpu.memory_space<vmem>>, vector<16xi32>,
    %swap3A_114 = vector.shape_cast %swap3A_113 : vector<16xi32> to vector<16xi32>
    %swap3A_115 = vector.shape_cast %shift_right_logical3A_111 : vector<16xi32> to vector<16xi32>
    tpu.vector_store %arg9[%swap3A_112], %swap3A_115 {strides = array<i32>} : memref<128xi32, #tpu.memory_space<vmem>>, vector<16xi32>,
    %mul3A_116 = arith.constant 0 : i32
    %mul3A_117 = arith.constant 1 : i32
    %mul3A_118 = arith.muli %mul3A_116, %mul3A_117 : i32
    %add3A_119 = arith.constant 0 : i32
    %add3A_120 = arith.addi %mul3A_118, %add3A_119 : i32
    %get3A_121 = arith.index_cast %add3A_120 : i32 to index
    %get3A_122 = arith.constant 80 : index
    %get3A_123 = tpu.vector_load %arg6[%get3A_121, %get3A_122] {strides = array<i32>} : memref<80x128xi32, #tpu.memory_space<vmem>>, vector<1x16xi32>,
    %get3A_124 = vector.shape_cast %get3A_123 : vector<1x16xi32> to vector<16xi32>
    %and3A_125 = arith.constant 65535 : i32
    %and3A_126 = vector.broadcast %and3A_125 : i32 to vector<16xi32>
    %and3A_127 = arith.andi %get3A_124, %and3A_126 : vector<16xi32>
    %swap3A_128 = arith.constant 80 : index
    %swap3A_129 = tpu.vector_load %arg7[%swap3A_128] {strides = array<i32>} : memref<128xi32, #tpu.memory_space<vmem>>, vector<16xi32>,
    %swap3A_130 = vector.shape_cast %swap3A_129 : vector<16xi32> to vector<16xi32>
    %swap3A_131 = vector.shape_cast %and3A_127 : vector<16xi32> to vector<16xi32>
    tpu.vector_store %arg7[%swap3A_128], %swap3A_131 {strides = array<i32>} : memref<128xi32, #tpu.memory_space<vmem>>, vector<16xi32>,
    %shift_right_logical3A_132 = arith.constant 16 : i32
    %shift_right_logical3A_133 = vector.broadcast %shift_right_logical3A_132 : i32 to vector<16xi32>
    %shift_right_logical3A_134 = arith.shrui %get3A_124, %shift_right_logical3A_133 : vector<16xi32>
    %swap3A_135 = arith.constant 80 : index
    %swap3A_136 = tpu.vector_load %arg9[%swap3A_135] {strides = array<i32>} : memref<128xi32, #tpu.memory_space<vmem>>, vector<16xi32>,
    %swap3A_137 = vector.shape_cast %swap3A_136 : vector<16xi32> to vector<16xi32>
    %swap3A_138 = vector.shape_cast %shift_right_logical3A_134 : vector<16xi32> to vector<16xi32>
    tpu.vector_store %arg9[%swap3A_135], %swap3A_138 {strides = array<i32>} : memref<128xi32, #tpu.memory_space<vmem>>, vector<16xi32>,
    %mul3A_139 = arith.constant 0 : i32
    %mul3A_140 = arith.constant 1 : i32
    %mul3A_141 = arith.muli %mul3A_139, %mul3A_140 : i32
    %add3A_142 = arith.constant 0 : i32
    %add3A_143 = arith.addi %mul3A_141, %add3A_142 : i32
    %get3A_144 = arith.index_cast %add3A_143 : i32 to index
    %get3A_145 = arith.constant 96 : index
    %get3A_146 = tpu.vector_load %arg6[%get3A_144, %get3A_145] {strides = array<i32>} : memref<80x128xi32, #tpu.memory_space<vmem>>, vector<1x16xi32>,
    %get3A_147 = vector.shape_cast %get3A_146 : vector<1x16xi32> to vector<16xi32>
    %and3A_148 = arith.constant 65535 : i32
    %and3A_149 = vector.broadcast %and3A_148 : i32 to vector<16xi32>
    %and3A_150 = arith.andi %get3A_147, %and3A_149 : vector<16xi32>
    %swap3A_151 = arith.constant 96 : index
    %swap3A_152 = tpu.vector_load %arg7[%swap3A_151] {strides = array<i32>} : memref<128xi32, #tpu.memory_space<vmem>>, vector<16xi32>,
    %swap3A_153 = vector.shape_cast %swap3A_152 : vector<16xi32> to vector<16xi32>
    %swap3A_154 = vector.shape_cast %and3A_150 : vector<16xi32> to vector<16xi32>
    tpu.vector_store %arg7[%swap3A_151], %swap3A_154 {strides = array<i32>} : memref<128xi32, #tpu.memory_space<vmem>>, vector<16xi32>,
    %shift_right_logical3A_155 = arith.constant 16 : i32
    %shift_right_logical3A_156 = vector.broadcast %shift_right_logical3A_155 : i32 to vector<16xi32>
    %shift_right_logical3A_157 = arith.shrui %get3A_147, %shift_right_logical3A_156 : vector<16xi32>
    %swap3A_158 = arith.constant 96 : index
    %swap3A_159 = tpu.vector_load %arg9[%swap3A_158] {strides = array<i32>} : memref<128xi32, #tpu.memory_space<vmem>>, vector<16xi32>,
    %swap3A_160 = vector.shape_cast %swap3A_159 : vector<16xi32> to vector<16xi32>
    %swap3A_161 = vector.shape_cast %shift_right_logical3A_157 : vector<16xi32> to vector<16xi32>
    tpu.vector_store %arg9[%swap3A_158], %swap3A_161 {strides = array<i32>} : memref<128xi32, #tpu.memory_space<vmem>>, vector<16xi32>,
    %mul3A_162 = arith.constant 0 : i32
    %mul3A_163 = arith.constant 1 : i32
    %mul3A_164 = arith.muli %mul3A_162, %mul3A_163 : i32
    %add3A_165 = arith.constant 0 : i32
    %add3A_166 = arith.addi %mul3A_164, %add3A_165 : i32
    %get3A_167 = arith.index_cast %add3A_166 : i32 to index
    %get3A_168 = arith.constant 112 : index
    %get3A_169 = tpu.vector_load %arg6[%get3A_167, %get3A_168] {strides = array<i32>} : memref<80x128xi32, #tpu.memory_space<vmem>>, vector<1x16xi32>,
    %get3A_170 = vector.shape_cast %get3A_169 : vector<1x16xi32> to vector<16xi32>
    %and3A_171 = arith.constant 65535 : i32
    %and3A_172 = vector.broadcast %and3A_171 : i32 to vector<16xi32>
    %and3A_173 = arith.andi %get3A_170, %and3A_172 : vector<16xi32>
    %swap3A_174 = arith.constant 112 : index
    %swap3A_175 = tpu.vector_load %arg7[%swap3A_174] {strides = array<i32>} : memref<128xi32, #tpu.memory_space<vmem>>, vector<16xi32>,
    %swap3A_176 = vector.shape_cast %swap3A_175 : vector<16xi32> to vector<16xi32>
    %swap3A_177 = vector.shape_cast %and3A_173 : vector<16xi32> to vector<16xi32>
    tpu.vector_store %arg7[%swap3A_174], %swap3A_177 {strides = array<i32>} : memref<128xi32, #tpu.memory_space<vmem>>, vector<16xi32>,
    %shift_right_logical3A_178 = arith.constant 16 : i32
    %shift_right_logical3A_179 = vector.broadcast %shift_right_logical3A_178 : i32 to vector<16xi32>
    %shift_right_logical3A_180 = arith.shrui %get3A_170, %shift_right_logical3A_179 : vector<16xi32>
    %swap3A_181 = arith.constant 112 : index
    %swap3A_182 = tpu.vector_load %arg9[%swap3A_181] {strides = array<i32>} : memref<128xi32, #tpu.memory_space<vmem>>, vector<16xi32>,
    %swap3A_183 = vector.shape_cast %swap3A_182 : vector<16xi32> to vector<16xi32>
    %swap3A_184 = vector.shape_cast %shift_right_logical3A_180 : vector<16xi32> to vector<16xi32>
    tpu.vector_store %arg9[%swap3A_181], %swap3A_184 {strides = array<i32>} : memref<128xi32, #tpu.memory_space<vmem>>, vector<16xi32>,
    %dma_start3A = arith.constant 0 : i32
    %dma_start3A_185 = arith.constant 0 : i32
    %dma_start3A_186 = tpu.memref_slice %arg2[%dma_start3A, %dma_start3A_185] : memref<10000x128xf32, #tpu.memory_space<hbm>> -> memref<10000x128xf32, #tpu.memory_space<hbm>>
    tpu.enqueue_indirect_dma source(%dma_start3A_186 : memref<10000x128xf32, #tpu.memory_space<hbm>>) target(%arg11 : memref<128x128xf32, #tpu.memory_space<vmem>>) offsets(%arg7 : memref<128xi32, #tpu.memory_space<vmem>>) semaphore(%arg14 : memref<!tpu.dma_semaphore, #tpu.memory_space<semaphore_mem>>)
    %barrier3A = arith.constant 0 : index
    tpu.barrier barrier_id(%barrier3A)
    %scan3A = arith.constant 0 : i32
    %scan3A_187 = arith.constant 0 : i32
    %scan3A_188 = arith.constant 40 : i32
    %scan3A_189 = arith.addi %scan3A_187, %scan3A_188 : i32
    %scan3A_190 = arith.constant 1 : i32
    scf.for %scan3A_199 = %scan3A_187 to %scan3A_189 step %scan3A_190  : i32 {
      %mul3A_200 = arith.constant 2 : i32
      %mul3A_201 = arith.muli %scan3A_199, %mul3A_200 : i32
      %add3A_202 = arith.constant 0 : i32
      %add3A_203 = arith.addi %mul3A_201, %add3A_202 : i32
      %ge3A = arith.constant 1 : i32
      %ge3A_204 = arith.cmpi sge, %add3A_203, %ge3A : i32
      %convert_element_type3A = arith.extui %ge3A_204 : i1 to i32
      %cond3A = arith.constant 0 : i32
      %cond3A_205 = arith.cmpi ne, %convert_element_type3A, %cond3A : i32
      scf.if %cond3A_205 {
        %dma_wait3A_240 = arith.constant 0 : i32
        %dma_wait3A_241 = arith.constant 0 : i32
        %dma_wait3A_242 = tpu.memref_slice %arg13[%dma_wait3A_240, %dma_wait3A_241] : memref<10112x128xf32, #tpu.memory_space<vmem_shared>> -> memref<10112x128xf32, #tpu.memory_space<vmem_shared>>
        tpu.wait_indirect_dma semaphore(%arg15 : memref<!tpu.dma_semaphore, #tpu.memory_space<semaphore_mem>>) src(%arg12 : memref<128x128xf32, #tpu.memory_space<vmem>>) dst(%dma_wait3A_242 : memref<10112x128xf32, #tpu.memory_space<vmem_shared>>)
      } else {
      }
      %add3A_206 = arith.constant 1 : i32
      %add3A_207 = arith.addi %add3A_203, %add3A_206 : i32
      %lt3A = arith.constant 80 : i32
      %lt3A_208 = arith.cmpi slt, %add3A_207, %lt3A : i32
      %convert_element_type3A_209 = arith.extui %lt3A_208 : i1 to i32
      %cond3A_210 = arith.constant 0 : i32
      %cond3A_211 = arith.cmpi ne, %convert_element_type3A_209, %cond3A_210 : i32
      scf.if %cond3A_211 {
        %add3A_240 = arith.constant 1 : i32
        %add3A_241 = arith.addi %add3A_203, %add3A_240 : i32
        %mul3A_242 = arith.constant 1 : i32
        %mul3A_243 = arith.muli %add3A_241, %mul3A_242 : i32
        %add3A_244 = arith.constant 0 : i32
        %add3A_245 = arith.addi %mul3A_243, %add3A_244 : i32
        %get3A_246 = arith.index_cast %add3A_245 : i32 to index
        %get3A_247 = arith.constant 0 : index
        %get3A_248 = tpu.vector_load %arg6[%get3A_246, %get3A_247] {strides = array<i32>} : memref<80x128xi32, #tpu.memory_space<vmem>>, vector<1x16xi32>,
        %get3A_249 = vector.shape_cast %get3A_248 : vector<1x16xi32> to vector<16xi32>
        %and3A_250 = arith.constant 65535 : i32
        %and3A_251 = vector.broadcast %and3A_250 : i32 to vector<16xi32>
        %and3A_252 = arith.andi %get3A_249, %and3A_251 : vector<16xi32>
        %swap3A_253 = arith.constant 0 : index
        %swap3A_254 = tpu.vector_load %arg8[%swap3A_253] {strides = array<i32>} : memref<128xi32, #tpu.memory_space<vmem>>, vector<16xi32>,
        %swap3A_255 = vector.shape_cast %swap3A_254 : vector<16xi32> to vector<16xi32>
        %swap3A_256 = vector.shape_cast %and3A_252 : vector<16xi32> to vector<16xi32>
        tpu.vector_store %arg8[%swap3A_253], %swap3A_256 {strides = array<i32>} : memref<128xi32, #tpu.memory_space<vmem>>, vector<16xi32>,
        %shift_right_logical3A_257 = arith.constant 16 : i32
        %shift_right_logical3A_258 = vector.broadcast %shift_right_logical3A_257 : i32 to vector<16xi32>
        %shift_right_logical3A_259 = arith.shrui %get3A_249, %shift_right_logical3A_258 : vector<16xi32>
        %swap3A_260 = arith.constant 0 : index
        %swap3A_261 = tpu.vector_load %arg10[%swap3A_260] {strides = array<i32>} : memref<128xi32, #tpu.memory_space<vmem>>, vector<16xi32>,
        %swap3A_262 = vector.shape_cast %swap3A_261 : vector<16xi32> to vector<16xi32>
        %swap3A_263 = vector.shape_cast %shift_right_logical3A_259 : vector<16xi32> to vector<16xi32>
        tpu.vector_store %arg10[%swap3A_260], %swap3A_263 {strides = array<i32>} : memref<128xi32, #tpu.memory_space<vmem>>, vector<16xi32>,
        %mul3A_264 = arith.constant 1 : i32
        %mul3A_265 = arith.muli %add3A_241, %mul3A_264 : i32
        %add3A_266 = arith.constant 0 : i32
        %add3A_267 = arith.addi %mul3A_265, %add3A_266 : i32
        %get3A_268 = arith.index_cast %add3A_267 : i32 to index
        %get3A_269 = arith.constant 16 : index
        %get3A_270 = tpu.vector_load %arg6[%get3A_268, %get3A_269] {strides = array<i32>} : memref<80x128xi32, #tpu.memory_space<vmem>>, vector<1x16xi32>,
        %get3A_271 = vector.shape_cast %get3A_270 : vector<1x16xi32> to vector<16xi32>
        %and3A_272 = arith.constant 65535 : i32
        %and3A_273 = vector.broadcast %and3A_272 : i32 to vector<16xi32>
        %and3A_274 = arith.andi %get3A_271, %and3A_273 : vector<16xi32>
        %swap3A_275 = arith.constant 16 : index
        %swap3A_276 = tpu.vector_load %arg8[%swap3A_275] {strides = array<i32>} : memref<128xi32, #tpu.memory_space<vmem>>, vector<16xi32>,
        %swap3A_277 = vector.shape_cast %swap3A_276 : vector<16xi32> to vector<16xi32>
        %swap3A_278 = vector.shape_cast %and3A_274 : vector<16xi32> to vector<16xi32>
        tpu.vector_store %arg8[%swap3A_275], %swap3A_278 {strides = array<i32>} : memref<128xi32, #tpu.memory_space<vmem>>, vector<16xi32>,
        %shift_right_logical3A_279 = arith.constant 16 : i32
        %shift_right_logical3A_280 = vector.broadcast %shift_right_logical3A_279 : i32 to vector<16xi32>
        %shift_right_logical3A_281 = arith.shrui %get3A_271, %shift_right_logical3A_280 : vector<16xi32>
        %swap3A_282 = arith.constant 16 : index
        %swap3A_283 = tpu.vector_load %arg10[%swap3A_282] {strides = array<i32>} : memref<128xi32, #tpu.memory_space<vmem>>, vector<16xi32>,
        %swap3A_284 = vector.shape_cast %swap3A_283 : vector<16xi32> to vector<16xi32>
        %swap3A_285 = vector.shape_cast %shift_right_logical3A_281 : vector<16xi32> to vector<16xi32>
        tpu.vector_store %arg10[%swap3A_282], %swap3A_285 {strides = array<i32>} : memref<128xi32, #tpu.memory_space<vmem>>, vector<16xi32>,
        %mul3A_286 = arith.constant 1 : i32
        %mul3A_287 = arith.muli %add3A_241, %mul3A_286 : i32
        %add3A_288 = arith.constant 0 : i32
        %add3A_289 = arith.addi %mul3A_287, %add3A_288 : i32
        %get3A_290 = arith.index_cast %add3A_289 : i32 to index
        %get3A_291 = arith.constant 32 : index
        %get3A_292 = tpu.vector_load %arg6[%get3A_290, %get3A_291] {strides = array<i32>} : memref<80x128xi32, #tpu.memory_space<vmem>>, vector<1x16xi32>,
        %get3A_293 = vector.shape_cast %get3A_292 : vector<1x16xi32> to vector<16xi32>
        %and3A_294 = arith.constant 65535 : i32
        %and3A_295 = vector.broadcast %and3A_294 : i32 to vector<16xi32>
        %and3A_296 = arith.andi %get3A_293, %and3A_295 : vector<16xi32>
        %swap3A_297 = arith.constant 32 : index
        %swap3A_298 = tpu.vector_load %arg8[%swap3A_297] {strides = array<i32>} : memref<128xi32, #tpu.memory_space<vmem>>, vector<16xi32>,
        %swap3A_299 = vector.shape_cast %swap3A_298 : vector<16xi32> to vector<16xi32>
        %swap3A_300 = vector.shape_cast %and3A_296 : vector<16xi32> to vector<16xi32>
        tpu.vector_store %arg8[%swap3A_297], %swap3A_300 {strides = array<i32>} : memref<128xi32, #tpu.memory_space<vmem>>, vector<16xi32>,
        %shift_right_logical3A_301 = arith.constant 16 : i32
        %shift_right_logical3A_302 = vector.broadcast %shift_right_logical3A_301 : i32 to vector<16xi32>
        %shift_right_logical3A_303 = arith.shrui %get3A_293, %shift_right_logical3A_302 : vector<16xi32>
        %swap3A_304 = arith.constant 32 : index
        %swap3A_305 = tpu.vector_load %arg10[%swap3A_304] {strides = array<i32>} : memref<128xi32, #tpu.memory_space<vmem>>, vector<16xi32>,
        %swap3A_306 = vector.shape_cast %swap3A_305 : vector<16xi32> to vector<16xi32>
        %swap3A_307 = vector.shape_cast %shift_right_logical3A_303 : vector<16xi32> to vector<16xi32>
        tpu.vector_store %arg10[%swap3A_304], %swap3A_307 {strides = array<i32>} : memref<128xi32, #tpu.memory_space<vmem>>, vector<16xi32>,
        %mul3A_308 = arith.constant 1 : i32
        %mul3A_309 = arith.muli %add3A_241, %mul3A_308 : i32
        %add3A_310 = arith.constant 0 : i32
        %add3A_311 = arith.addi %mul3A_309, %add3A_310 : i32
        %get3A_312 = arith.index_cast %add3A_311 : i32 to index
        %get3A_313 = arith.constant 48 : index
        %get3A_314 = tpu.vector_load %arg6[%get3A_312, %get3A_313] {strides = array<i32>} : memref<80x128xi32, #tpu.memory_space<vmem>>, vector<1x16xi32>,
        %get3A_315 = vector.shape_cast %get3A_314 : vector<1x16xi32> to vector<16xi32>
        %and3A_316 = arith.constant 65535 : i32
        %and3A_317 = vector.broadcast %and3A_316 : i32 to vector<16xi32>
        %and3A_318 = arith.andi %get3A_315, %and3A_317 : vector<16xi32>
        %swap3A_319 = arith.constant 48 : index
        %swap3A_320 = tpu.vector_load %arg8[%swap3A_319] {strides = array<i32>} : memref<128xi32, #tpu.memory_space<vmem>>, vector<16xi32>,
        %swap3A_321 = vector.shape_cast %swap3A_320 : vector<16xi32> to vector<16xi32>
        %swap3A_322 = vector.shape_cast %and3A_318 : vector<16xi32> to vector<16xi32>
        tpu.vector_store %arg8[%swap3A_319], %swap3A_322 {strides = array<i32>} : memref<128xi32, #tpu.memory_space<vmem>>, vector<16xi32>,
        %shift_right_logical3A_323 = arith.constant 16 : i32
        %shift_right_logical3A_324 = vector.broadcast %shift_right_logical3A_323 : i32 to vector<16xi32>
        %shift_right_logical3A_325 = arith.shrui %get3A_315, %shift_right_logical3A_324 : vector<16xi32>
        %swap3A_326 = arith.constant 48 : index
        %swap3A_327 = tpu.vector_load %arg10[%swap3A_326] {strides = array<i32>} : memref<128xi32, #tpu.memory_space<vmem>>, vector<16xi32>,
        %swap3A_328 = vector.shape_cast %swap3A_327 : vector<16xi32> to vector<16xi32>
        %swap3A_329 = vector.shape_cast %shift_right_logical3A_325 : vector<16xi32> to vector<16xi32>
        tpu.vector_store %arg10[%swap3A_326], %swap3A_329 {strides = array<i32>} : memref<128xi32, #tpu.memory_space<vmem>>, vector<16xi32>,
        %mul3A_330 = arith.constant 1 : i32
        %mul3A_331 = arith.muli %add3A_241, %mul3A_330 : i32
        %add3A_332 = arith.constant 0 : i32
        %add3A_333 = arith.addi %mul3A_331, %add3A_332 : i32
        %get3A_334 = arith.index_cast %add3A_333 : i32 to index
        %get3A_335 = arith.constant 64 : index
        %get3A_336 = tpu.vector_load %arg6[%get3A_334, %get3A_335] {strides = array<i32>} : memref<80x128xi32, #tpu.memory_space<vmem>>, vector<1x16xi32>,
        %get3A_337 = vector.shape_cast %get3A_336 : vector<1x16xi32> to vector<16xi32>
        %and3A_338 = arith.constant 65535 : i32
        %and3A_339 = vector.broadcast %and3A_338 : i32 to vector<16xi32>
        %and3A_340 = arith.andi %get3A_337, %and3A_339 : vector<16xi32>
        %swap3A_341 = arith.constant 64 : index
        %swap3A_342 = tpu.vector_load %arg8[%swap3A_341] {strides = array<i32>} : memref<128xi32, #tpu.memory_space<vmem>>, vector<16xi32>,
        %swap3A_343 = vector.shape_cast %swap3A_342 : vector<16xi32> to vector<16xi32>
        %swap3A_344 = vector.shape_cast %and3A_340 : vector<16xi32> to vector<16xi32>
        tpu.vector_store %arg8[%swap3A_341], %swap3A_344 {strides = array<i32>} : memref<128xi32, #tpu.memory_space<vmem>>, vector<16xi32>,
        %shift_right_logical3A_345 = arith.constant 16 : i32
        %shift_right_logical3A_346 = vector.broadcast %shift_right_logical3A_345 : i32 to vector<16xi32>
        %shift_right_logical3A_347 = arith.shrui %get3A_337, %shift_right_logical3A_346 : vector<16xi32>
        %swap3A_348 = arith.constant 64 : index
        %swap3A_349 = tpu.vector_load %arg10[%swap3A_348] {strides = array<i32>} : memref<128xi32, #tpu.memory_space<vmem>>, vector<16xi32>,
        %swap3A_350 = vector.shape_cast %swap3A_349 : vector<16xi32> to vector<16xi32>
        %swap3A_351 = vector.shape_cast %shift_right_logical3A_347 : vector<16xi32> to vector<16xi32>
        tpu.vector_store %arg10[%swap3A_348], %swap3A_351 {strides = array<i32>} : memref<128xi32, #tpu.memory_space<vmem>>, vector<16xi32>,
        %mul3A_352 = arith.constant 1 : i32
        %mul3A_353 = arith.muli %add3A_241, %mul3A_352 : i32
        %add3A_354 = arith.constant 0 : i32
        %add3A_355 = arith.addi %mul3A_353, %add3A_354 : i32
        %get3A_356 = arith.index_cast %add3A_355 : i32 to index
        %get3A_357 = arith.constant 80 : index
        %get3A_358 = tpu.vector_load %arg6[%get3A_356, %get3A_357] {strides = array<i32>} : memref<80x128xi32, #tpu.memory_space<vmem>>, vector<1x16xi32>,
        %get3A_359 = vector.shape_cast %get3A_358 : vector<1x16xi32> to vector<16xi32>
        %and3A_360 = arith.constant 65535 : i32
        %and3A_361 = vector.broadcast %and3A_360 : i32 to vector<16xi32>
        %and3A_362 = arith.andi %get3A_359, %and3A_361 : vector<16xi32>
        %swap3A_363 = arith.constant 80 : index
        %swap3A_364 = tpu.vector_load %arg8[%swap3A_363] {strides = array<i32>} : memref<128xi32, #tpu.memory_space<vmem>>, vector<16xi32>,
        %swap3A_365 = vector.shape_cast %swap3A_364 : vector<16xi32> to vector<16xi32>
        %swap3A_366 = vector.shape_cast %and3A_362 : vector<16xi32> to vector<16xi32>
        tpu.vector_store %arg8[%swap3A_363], %swap3A_366 {strides = array<i32>} : memref<128xi32, #tpu.memory_space<vmem>>, vector<16xi32>,
        %shift_right_logical3A_367 = arith.constant 16 : i32
        %shift_right_logical3A_368 = vector.broadcast %shift_right_logical3A_367 : i32 to vector<16xi32>
        %shift_right_logical3A_369 = arith.shrui %get3A_359, %shift_right_logical3A_368 : vector<16xi32>
        %swap3A_370 = arith.constant 80 : index
        %swap3A_371 = tpu.vector_load %arg10[%swap3A_370] {strides = array<i32>} : memref<128xi32, #tpu.memory_space<vmem>>, vector<16xi32>,
        %swap3A_372 = vector.shape_cast %swap3A_371 : vector<16xi32> to vector<16xi32>
        %swap3A_373 = vector.shape_cast %shift_right_logical3A_369 : vector<16xi32> to vector<16xi32>
        tpu.vector_store %arg10[%swap3A_370], %swap3A_373 {strides = array<i32>} : memref<128xi32, #tpu.memory_space<vmem>>, vector<16xi32>,
        %mul3A_374 = arith.constant 1 : i32
        %mul3A_375 = arith.muli %add3A_241, %mul3A_374 : i32
        %add3A_376 = arith.constant 0 : i32
        %add3A_377 = arith.addi %mul3A_375, %add3A_376 : i32
        %get3A_378 = arith.index_cast %add3A_377 : i32 to index
        %get3A_379 = arith.constant 96 : index
        %get3A_380 = tpu.vector_load %arg6[%get3A_378, %get3A_379] {strides = array<i32>} : memref<80x128xi32, #tpu.memory_space<vmem>>, vector<1x16xi32>,
        %get3A_381 = vector.shape_cast %get3A_380 : vector<1x16xi32> to vector<16xi32>
        %and3A_382 = arith.constant 65535 : i32
        %and3A_383 = vector.broadcast %and3A_382 : i32 to vector<16xi32>
        %and3A_384 = arith.andi %get3A_381, %and3A_383 : vector<16xi32>
        %swap3A_385 = arith.constant 96 : index
        %swap3A_386 = tpu.vector_load %arg8[%swap3A_385] {strides = array<i32>} : memref<128xi32, #tpu.memory_space<vmem>>, vector<16xi32>,
        %swap3A_387 = vector.shape_cast %swap3A_386 : vector<16xi32> to vector<16xi32>
        %swap3A_388 = vector.shape_cast %and3A_384 : vector<16xi32> to vector<16xi32>
        tpu.vector_store %arg8[%swap3A_385], %swap3A_388 {strides = array<i32>} : memref<128xi32, #tpu.memory_space<vmem>>, vector<16xi32>,
        %shift_right_logical3A_389 = arith.constant 16 : i32
        %shift_right_logical3A_390 = vector.broadcast %shift_right_logical3A_389 : i32 to vector<16xi32>
        %shift_right_logical3A_391 = arith.shrui %get3A_381, %shift_right_logical3A_390 : vector<16xi32>
        %swap3A_392 = arith.constant 96 : index
        %swap3A_393 = tpu.vector_load %arg10[%swap3A_392] {strides = array<i32>} : memref<128xi32, #tpu.memory_space<vmem>>, vector<16xi32>,
        %swap3A_394 = vector.shape_cast %swap3A_393 : vector<16xi32> to vector<16xi32>
        %swap3A_395 = vector.shape_cast %shift_right_logical3A_391 : vector<16xi32> to vector<16xi32>
        tpu.vector_store %arg10[%swap3A_392], %swap3A_395 {strides = array<i32>} : memref<128xi32, #tpu.memory_space<vmem>>, vector<16xi32>,
        %mul3A_396 = arith.constant 1 : i32
        %mul3A_397 = arith.muli %add3A_241, %mul3A_396 : i32
        %add3A_398 = arith.constant 0 : i32
        %add3A_399 = arith.addi %mul3A_397, %add3A_398 : i32
        %get3A_400 = arith.index_cast %add3A_399 : i32 to index
        %get3A_401 = arith.constant 112 : index
        %get3A_402 = tpu.vector_load %arg6[%get3A_400, %get3A_401] {strides = array<i32>} : memref<80x128xi32, #tpu.memory_space<vmem>>, vector<1x16xi32>,
        %get3A_403 = vector.shape_cast %get3A_402 : vector<1x16xi32> to vector<16xi32>
        %and3A_404 = arith.constant 65535 : i32
        %and3A_405 = vector.broadcast %and3A_404 : i32 to vector<16xi32>
        %and3A_406 = arith.andi %get3A_403, %and3A_405 : vector<16xi32>
        %swap3A_407 = arith.constant 112 : index
        %swap3A_408 = tpu.vector_load %arg8[%swap3A_407] {strides = array<i32>} : memref<128xi32, #tpu.memory_space<vmem>>, vector<16xi32>,
        %swap3A_409 = vector.shape_cast %swap3A_408 : vector<16xi32> to vector<16xi32>
        %swap3A_410 = vector.shape_cast %and3A_406 : vector<16xi32> to vector<16xi32>
        tpu.vector_store %arg8[%swap3A_407], %swap3A_410 {strides = array<i32>} : memref<128xi32, #tpu.memory_space<vmem>>, vector<16xi32>,
        %shift_right_logical3A_411 = arith.constant 16 : i32
        %shift_right_logical3A_412 = vector.broadcast %shift_right_logical3A_411 : i32 to vector<16xi32>
        %shift_right_logical3A_413 = arith.shrui %get3A_403, %shift_right_logical3A_412 : vector<16xi32>
        %swap3A_414 = arith.constant 112 : index
        %swap3A_415 = tpu.vector_load %arg10[%swap3A_414] {strides = array<i32>} : memref<128xi32, #tpu.memory_space<vmem>>, vector<16xi32>,
        %swap3A_416 = vector.shape_cast %swap3A_415 : vector<16xi32> to vector<16xi32>
        %swap3A_417 = vector.shape_cast %shift_right_logical3A_413 : vector<16xi32> to vector<16xi32>
        tpu.vector_store %arg10[%swap3A_414], %swap3A_417 {strides = array<i32>} : memref<128xi32, #tpu.memory_space<vmem>>, vector<16xi32>,
        %dma_start3A_418 = arith.constant 0 : i32
        %dma_start3A_419 = arith.constant 0 : i32
        %dma_start3A_420 = tpu.memref_slice %arg2[%dma_start3A_418, %dma_start3A_419] : memref<10000x128xf32, #tpu.memory_space<hbm>> -> memref<10000x128xf32, #tpu.memory_space<hbm>>
        tpu.enqueue_indirect_dma source(%dma_start3A_420 : memref<10000x128xf32, #tpu.memory_space<hbm>>) target(%arg12 : memref<128x128xf32, #tpu.memory_space<vmem>>) offsets(%arg8 : memref<128xi32, #tpu.memory_space<vmem>>) semaphore(%arg14 : memref<!tpu.dma_semaphore, #tpu.memory_space<semaphore_mem>>)
      } else {
      }
      %dma_wait3A_212 = arith.constant 0 : i32
      %dma_wait3A_213 = arith.constant 0 : i32
      %dma_wait3A_214 = tpu.memref_slice %arg2[%dma_wait3A_212, %dma_wait3A_213] : memref<10000x128xf32, #tpu.memory_space<hbm>> -> memref<10000x128xf32, #tpu.memory_space<hbm>>
      tpu.wait_indirect_dma semaphore(%arg14 : memref<!tpu.dma_semaphore, #tpu.memory_space<semaphore_mem>>) src(%dma_wait3A_214 : memref<10000x128xf32, #tpu.memory_space<hbm>>) dst(%arg11 : memref<128x128xf32, #tpu.memory_space<vmem>>)
      %dma_start3A_215 = arith.constant 0 : i32
      %dma_start3A_216 = arith.constant 0 : i32
      %dma_start3A_217 = tpu.memref_slice %arg13[%dma_start3A_215, %dma_start3A_216] : memref<10112x128xf32, #tpu.memory_space<vmem_shared>> -> memref<10112x128xf32, #tpu.memory_space<vmem_shared>>
      tpu.enqueue_indirect_dma source(%arg11 : memref<128x128xf32, #tpu.memory_space<vmem>>) target(%dma_start3A_217 : memref<10112x128xf32, #tpu.memory_space<vmem_shared>>) offsets(%arg9 : memref<128xi32, #tpu.memory_space<vmem>>) semaphore(%arg15 : memref<!tpu.dma_semaphore, #tpu.memory_space<semaphore_mem>>) {add = true}
      %mul3A_218 = arith.constant 2 : i32
      %mul3A_219 = arith.muli %scan3A_199, %mul3A_218 : i32
      %add3A_220 = arith.constant 1 : i32
      %add3A_221 = arith.addi %mul3A_219, %add3A_220 : i32
      %ge3A_222 = arith.constant 1 : i32
      %ge3A_223 = arith.cmpi sge, %add3A_221, %ge3A_222 : i32
      %convert_element_type3A_224 = arith.extui %ge3A_223 : i1 to i32
      %cond3A_225 = arith.constant 0 : i32
      %cond3A_226 = arith.cmpi ne, %convert_element_type3A_224, %cond3A_225 : i32
      scf.if %cond3A_226 {
        %dma_wait3A_240 = arith.constant 0 : i32
        %dma_wait3A_241 = arith.constant 0 : i32
        %dma_wait3A_242 = tpu.memref_slice %arg13[%dma_wait3A_240, %dma_wait3A_241] : memref<10112x128xf32, #tpu.memory_space<vmem_shared>> -> memref<10112x128xf32, #tpu.memory_space<vmem_shared>>
        tpu.wait_indirect_dma semaphore(%arg15 : memref<!tpu.dma_semaphore, #tpu.memory_space<semaphore_mem>>) src(%arg11 : memref<128x128xf32, #tpu.memory_space<vmem>>) dst(%dma_wait3A_242 : memref<10112x128xf32, #tpu.memory_space<vmem_shared>>)
      } else {
      }
      %add3A_227 = arith.constant 1 : i32
      %add3A_228 = arith.addi %add3A_221, %add3A_227 : i32
      %lt3A_229 = arith.constant 80 : i32
      %lt3A_230 = arith.cmpi slt, %add3A_228, %lt3A_229 : i32
      %convert_element_type3A_231 = arith.extui %lt3A_230 : i1 to i32
      %cond3A_232 = arith.constant 0 : i32
      %cond3A_233 = arith.cmpi ne, %convert_element_type3A_231, %cond3A_232 : i32
      scf.if %cond3A_233 {
        %add3A_240 = arith.constant 1 : i32
        %add3A_241 = arith.addi %add3A_221, %add3A_240 : i32
        %mul3A_242 = arith.constant 1 : i32
        %mul3A_243 = arith.muli %add3A_241, %mul3A_242 : i32
        %add3A_244 = arith.constant 0 : i32
        %add3A_245 = arith.addi %mul3A_243, %add3A_244 : i32
        %get3A_246 = arith.index_cast %add3A_245 : i32 to index
        %get3A_247 = arith.constant 0 : index
        %get3A_248 = tpu.vector_load %arg6[%get3A_246, %get3A_247] {strides = array<i32>} : memref<80x128xi32, #tpu.memory_space<vmem>>, vector<1x16xi32>,
        %get3A_249 = vector.shape_cast %get3A_248 : vector<1x16xi32> to vector<16xi32>
        %and3A_250 = arith.constant 65535 : i32
        %and3A_251 = vector.broadcast %and3A_250 : i32 to vector<16xi32>
        %and3A_252 = arith.andi %get3A_249, %and3A_251 : vector<16xi32>
        %swap3A_253 = arith.constant 0 : index
        %swap3A_254 = tpu.vector_load %arg7[%swap3A_253] {strides = array<i32>} : memref<128xi32, #tpu.memory_space<vmem>>, vector<16xi32>,
        %swap3A_255 = vector.shape_cast %swap3A_254 : vector<16xi32> to vector<16xi32>
        %swap3A_256 = vector.shape_cast %and3A_252 : vector<16xi32> to vector<16xi32>
        tpu.vector_store %arg7[%swap3A_253], %swap3A_256 {strides = array<i32>} : memref<128xi32, #tpu.memory_space<vmem>>, vector<16xi32>,
        %shift_right_logical3A_257 = arith.constant 16 : i32
        %shift_right_logical3A_258 = vector.broadcast %shift_right_logical3A_257 : i32 to vector<16xi32>
        %shift_right_logical3A_259 = arith.shrui %get3A_249, %shift_right_logical3A_258 : vector<16xi32>
        %swap3A_260 = arith.constant 0 : index
        %swap3A_261 = tpu.vector_load %arg9[%swap3A_260] {strides = array<i32>} : memref<128xi32, #tpu.memory_space<vmem>>, vector<16xi32>,
        %swap3A_262 = vector.shape_cast %swap3A_261 : vector<16xi32> to vector<16xi32>
        %swap3A_263 = vector.shape_cast %shift_right_logical3A_259 : vector<16xi32> to vector<16xi32>
        tpu.vector_store %arg9[%swap3A_260], %swap3A_263 {strides = array<i32>} : memref<128xi32, #tpu.memory_space<vmem>>, vector<16xi32>,
        %mul3A_264 = arith.constant 1 : i32
        %mul3A_265 = arith.muli %add3A_241, %mul3A_264 : i32
        %add3A_266 = arith.constant 0 : i32
        %add3A_267 = arith.addi %mul3A_265, %add3A_266 : i32
        %get3A_268 = arith.index_cast %add3A_267 : i32 to index
        %get3A_269 = arith.constant 16 : index
        %get3A_270 = tpu.vector_load %arg6[%get3A_268, %get3A_269] {strides = array<i32>} : memref<80x128xi32, #tpu.memory_space<vmem>>, vector<1x16xi32>,
        %get3A_271 = vector.shape_cast %get3A_270 : vector<1x16xi32> to vector<16xi32>
        %and3A_272 = arith.constant 65535 : i32
        %and3A_273 = vector.broadcast %and3A_272 : i32 to vector<16xi32>
        %and3A_274 = arith.andi %get3A_271, %and3A_273 : vector<16xi32>
        %swap3A_275 = arith.constant 16 : index
        %swap3A_276 = tpu.vector_load %arg7[%swap3A_275] {strides = array<i32>} : memref<128xi32, #tpu.memory_space<vmem>>, vector<16xi32>,
        %swap3A_277 = vector.shape_cast %swap3A_276 : vector<16xi32> to vector<16xi32>
        %swap3A_278 = vector.shape_cast %and3A_274 : vector<16xi32> to vector<16xi32>
        tpu.vector_store %arg7[%swap3A_275], %swap3A_278 {strides = array<i32>} : memref<128xi32, #tpu.memory_space<vmem>>, vector<16xi32>,
        %shift_right_logical3A_279 = arith.constant 16 : i32
        %shift_right_logical3A_280 = vector.broadcast %shift_right_logical3A_279 : i32 to vector<16xi32>
        %shift_right_logical3A_281 = arith.shrui %get3A_271, %shift_right_logical3A_280 : vector<16xi32>
        %swap3A_282 = arith.constant 16 : index
        %swap3A_283 = tpu.vector_load %arg9[%swap3A_282] {strides = array<i32>} : memref<128xi32, #tpu.memory_space<vmem>>, vector<16xi32>,
        %swap3A_284 = vector.shape_cast %swap3A_283 : vector<16xi32> to vector<16xi32>
        %swap3A_285 = vector.shape_cast %shift_right_logical3A_281 : vector<16xi32> to vector<16xi32>
        tpu.vector_store %arg9[%swap3A_282], %swap3A_285 {strides = array<i32>} : memref<128xi32, #tpu.memory_space<vmem>>, vector<16xi32>,
        %mul3A_286 = arith.constant 1 : i32
        %mul3A_287 = arith.muli %add3A_241, %mul3A_286 : i32
        %add3A_288 = arith.constant 0 : i32
        %add3A_289 = arith.addi %mul3A_287, %add3A_288 : i32
        %get3A_290 = arith.index_cast %add3A_289 : i32 to index
        %get3A_291 = arith.constant 32 : index
        %get3A_292 = tpu.vector_load %arg6[%get3A_290, %get3A_291] {strides = array<i32>} : memref<80x128xi32, #tpu.memory_space<vmem>>, vector<1x16xi32>,
        %get3A_293 = vector.shape_cast %get3A_292 : vector<1x16xi32> to vector<16xi32>
        %and3A_294 = arith.constant 65535 : i32
        %and3A_295 = vector.broadcast %and3A_294 : i32 to vector<16xi32>
        %and3A_296 = arith.andi %get3A_293, %and3A_295 : vector<16xi32>
        %swap3A_297 = arith.constant 32 : index
        %swap3A_298 = tpu.vector_load %arg7[%swap3A_297] {strides = array<i32>} : memref<128xi32, #tpu.memory_space<vmem>>, vector<16xi32>,
        %swap3A_299 = vector.shape_cast %swap3A_298 : vector<16xi32> to vector<16xi32>
        %swap3A_300 = vector.shape_cast %and3A_296 : vector<16xi32> to vector<16xi32>
        tpu.vector_store %arg7[%swap3A_297], %swap3A_300 {strides = array<i32>} : memref<128xi32, #tpu.memory_space<vmem>>, vector<16xi32>,
        %shift_right_logical3A_301 = arith.constant 16 : i32
        %shift_right_logical3A_302 = vector.broadcast %shift_right_logical3A_301 : i32 to vector<16xi32>
        %shift_right_logical3A_303 = arith.shrui %get3A_293, %shift_right_logical3A_302 : vector<16xi32>
        %swap3A_304 = arith.constant 32 : index
        %swap3A_305 = tpu.vector_load %arg9[%swap3A_304] {strides = array<i32>} : memref<128xi32, #tpu.memory_space<vmem>>, vector<16xi32>,
        %swap3A_306 = vector.shape_cast %swap3A_305 : vector<16xi32> to vector<16xi32>
        %swap3A_307 = vector.shape_cast %shift_right_logical3A_303 : vector<16xi32> to vector<16xi32>
        tpu.vector_store %arg9[%swap3A_304], %swap3A_307 {strides = array<i32>} : memref<128xi32, #tpu.memory_space<vmem>>, vector<16xi32>,
        %mul3A_308 = arith.constant 1 : i32
        %mul3A_309 = arith.muli %add3A_241, %mul3A_308 : i32
        %add3A_310 = arith.constant 0 : i32
        %add3A_311 = arith.addi %mul3A_309, %add3A_310 : i32
        %get3A_312 = arith.index_cast %add3A_311 : i32 to index
        %get3A_313 = arith.constant 48 : index
        %get3A_314 = tpu.vector_load %arg6[%get3A_312, %get3A_313] {strides = array<i32>} : memref<80x128xi32, #tpu.memory_space<vmem>>, vector<1x16xi32>,
        %get3A_315 = vector.shape_cast %get3A_314 : vector<1x16xi32> to vector<16xi32>
        %and3A_316 = arith.constant 65535 : i32
        %and3A_317 = vector.broadcast %and3A_316 : i32 to vector<16xi32>
        %and3A_318 = arith.andi %get3A_315, %and3A_317 : vector<16xi32>
        %swap3A_319 = arith.constant 48 : index
        %swap3A_320 = tpu.vector_load %arg7[%swap3A_319] {strides = array<i32>} : memref<128xi32, #tpu.memory_space<vmem>>, vector<16xi32>,
        %swap3A_321 = vector.shape_cast %swap3A_320 : vector<16xi32> to vector<16xi32>
        %swap3A_322 = vector.shape_cast %and3A_318 : vector<16xi32> to vector<16xi32>
        tpu.vector_store %arg7[%swap3A_319], %swap3A_322 {strides = array<i32>} : memref<128xi32, #tpu.memory_space<vmem>>, vector<16xi32>,
        %shift_right_logical3A_323 = arith.constant 16 : i32
        %shift_right_logical3A_324 = vector.broadcast %shift_right_logical3A_323 : i32 to vector<16xi32>
        %shift_right_logical3A_325 = arith.shrui %get3A_315, %shift_right_logical3A_324 : vector<16xi32>
        %swap3A_326 = arith.constant 48 : index
        %swap3A_327 = tpu.vector_load %arg9[%swap3A_326] {strides = array<i32>} : memref<128xi32, #tpu.memory_space<vmem>>, vector<16xi32>,
        %swap3A_328 = vector.shape_cast %swap3A_327 : vector<16xi32> to vector<16xi32>
        %swap3A_329 = vector.shape_cast %shift_right_logical3A_325 : vector<16xi32> to vector<16xi32>
        tpu.vector_store %arg9[%swap3A_326], %swap3A_329 {strides = array<i32>} : memref<128xi32, #tpu.memory_space<vmem>>, vector<16xi32>,
        %mul3A_330 = arith.constant 1 : i32
        %mul3A_331 = arith.muli %add3A_241, %mul3A_330 : i32
        %add3A_332 = arith.constant 0 : i32
        %add3A_333 = arith.addi %mul3A_331, %add3A_332 : i32
        %get3A_334 = arith.index_cast %add3A_333 : i32 to index
        %get3A_335 = arith.constant 64 : index
        %get3A_336 = tpu.vector_load %arg6[%get3A_334, %get3A_335] {strides = array<i32>} : memref<80x128xi32, #tpu.memory_space<vmem>>, vector<1x16xi32>,
        %get3A_337 = vector.shape_cast %get3A_336 : vector<1x16xi32> to vector<16xi32>
        %and3A_338 = arith.constant 65535 : i32
        %and3A_339 = vector.broadcast %and3A_338 : i32 to vector<16xi32>
        %and3A_340 = arith.andi %get3A_337, %and3A_339 : vector<16xi32>
        %swap3A_341 = arith.constant 64 : index
        %swap3A_342 = tpu.vector_load %arg7[%swap3A_341] {strides = array<i32>} : memref<128xi32, #tpu.memory_space<vmem>>, vector<16xi32>,
        %swap3A_343 = vector.shape_cast %swap3A_342 : vector<16xi32> to vector<16xi32>
        %swap3A_344 = vector.shape_cast %and3A_340 : vector<16xi32> to vector<16xi32>
        tpu.vector_store %arg7[%swap3A_341], %swap3A_344 {strides = array<i32>} : memref<128xi32, #tpu.memory_space<vmem>>, vector<16xi32>,
        %shift_right_logical3A_345 = arith.constant 16 : i32
        %shift_right_logical3A_346 = vector.broadcast %shift_right_logical3A_345 : i32 to vector<16xi32>
        %shift_right_logical3A_347 = arith.shrui %get3A_337, %shift_right_logical3A_346 : vector<16xi32>
        %swap3A_348 = arith.constant 64 : index
        %swap3A_349 = tpu.vector_load %arg9[%swap3A_348] {strides = array<i32>} : memref<128xi32, #tpu.memory_space<vmem>>, vector<16xi32>,
        %swap3A_350 = vector.shape_cast %swap3A_349 : vector<16xi32> to vector<16xi32>
        %swap3A_351 = vector.shape_cast %shift_right_logical3A_347 : vector<16xi32> to vector<16xi32>
        tpu.vector_store %arg9[%swap3A_348], %swap3A_351 {strides = array<i32>} : memref<128xi32, #tpu.memory_space<vmem>>, vector<16xi32>,
        %mul3A_352 = arith.constant 1 : i32
        %mul3A_353 = arith.muli %add3A_241, %mul3A_352 : i32
        %add3A_354 = arith.constant 0 : i32
        %add3A_355 = arith.addi %mul3A_353, %add3A_354 : i32
        %get3A_356 = arith.index_cast %add3A_355 : i32 to index
        %get3A_357 = arith.constant 80 : index
        %get3A_358 = tpu.vector_load %arg6[%get3A_356, %get3A_357] {strides = array<i32>} : memref<80x128xi32, #tpu.memory_space<vmem>>, vector<1x16xi32>,
        %get3A_359 = vector.shape_cast %get3A_358 : vector<1x16xi32> to vector<16xi32>
        %and3A_360 = arith.constant 65535 : i32
        %and3A_361 = vector.broadcast %and3A_360 : i32 to vector<16xi32>
        %and3A_362 = arith.andi %get3A_359, %and3A_361 : vector<16xi32>
        %swap3A_363 = arith.constant 80 : index
        %swap3A_364 = tpu.vector_load %arg7[%swap3A_363] {strides = array<i32>} : memref<128xi32, #tpu.memory_space<vmem>>, vector<16xi32>,
        %swap3A_365 = vector.shape_cast %swap3A_364 : vector<16xi32> to vector<16xi32>
        %swap3A_366 = vector.shape_cast %and3A_362 : vector<16xi32> to vector<16xi32>
        tpu.vector_store %arg7[%swap3A_363], %swap3A_366 {strides = array<i32>} : memref<128xi32, #tpu.memory_space<vmem>>, vector<16xi32>,
        %shift_right_logical3A_367 = arith.constant 16 : i32
        %shift_right_logical3A_368 = vector.broadcast %shift_right_logical3A_367 : i32 to vector<16xi32>
        %shift_right_logical3A_369 = arith.shrui %get3A_359, %shift_right_logical3A_368 : vector<16xi32>
        %swap3A_370 = arith.constant 80 : index
        %swap3A_371 = tpu.vector_load %arg9[%swap3A_370] {strides = array<i32>} : memref<128xi32, #tpu.memory_space<vmem>>, vector<16xi32>,
        %swap3A_372 = vector.shape_cast %swap3A_371 : vector<16xi32> to vector<16xi32>
        %swap3A_373 = vector.shape_cast %shift_right_logical3A_369 : vector<16xi32> to vector<16xi32>
        tpu.vector_store %arg9[%swap3A_370], %swap3A_373 {strides = array<i32>} : memref<128xi32, #tpu.memory_space<vmem>>, vector<16xi32>,
        %mul3A_374 = arith.constant 1 : i32
        %mul3A_375 = arith.muli %add3A_241, %mul3A_374 : i32
        %add3A_376 = arith.constant 0 : i32
        %add3A_377 = arith.addi %mul3A_375, %add3A_376 : i32
        %get3A_378 = arith.index_cast %add3A_377 : i32 to index
        %get3A_379 = arith.constant 96 : index
        %get3A_380 = tpu.vector_load %arg6[%get3A_378, %get3A_379] {strides = array<i32>} : memref<80x128xi32, #tpu.memory_space<vmem>>, vector<1x16xi32>,
        %get3A_381 = vector.shape_cast %get3A_380 : vector<1x16xi32> to vector<16xi32>
        %and3A_382 = arith.constant 65535 : i32
        %and3A_383 = vector.broadcast %and3A_382 : i32 to vector<16xi32>
        %and3A_384 = arith.andi %get3A_381, %and3A_383 : vector<16xi32>
        %swap3A_385 = arith.constant 96 : index
        %swap3A_386 = tpu.vector_load %arg7[%swap3A_385] {strides = array<i32>} : memref<128xi32, #tpu.memory_space<vmem>>, vector<16xi32>,
        %swap3A_387 = vector.shape_cast %swap3A_386 : vector<16xi32> to vector<16xi32>
        %swap3A_388 = vector.shape_cast %and3A_384 : vector<16xi32> to vector<16xi32>
        tpu.vector_store %arg7[%swap3A_385], %swap3A_388 {strides = array<i32>} : memref<128xi32, #tpu.memory_space<vmem>>, vector<16xi32>,
        %shift_right_logical3A_389 = arith.constant 16 : i32
        %shift_right_logical3A_390 = vector.broadcast %shift_right_logical3A_389 : i32 to vector<16xi32>
        %shift_right_logical3A_391 = arith.shrui %get3A_381, %shift_right_logical3A_390 : vector<16xi32>
        %swap3A_392 = arith.constant 96 : index
        %swap3A_393 = tpu.vector_load %arg9[%swap3A_392] {strides = array<i32>} : memref<128xi32, #tpu.memory_space<vmem>>, vector<16xi32>,
        %swap3A_394 = vector.shape_cast %swap3A_393 : vector<16xi32> to vector<16xi32>
        %swap3A_395 = vector.shape_cast %shift_right_logical3A_391 : vector<16xi32> to vector<16xi32>
        tpu.vector_store %arg9[%swap3A_392], %swap3A_395 {strides = array<i32>} : memref<128xi32, #tpu.memory_space<vmem>>, vector<16xi32>,
        %mul3A_396 = arith.constant 1 : i32
        %mul3A_397 = arith.muli %add3A_241, %mul3A_396 : i32
        %add3A_398 = arith.constant 0 : i32
        %add3A_399 = arith.addi %mul3A_397, %add3A_398 : i32
        %get3A_400 = arith.index_cast %add3A_399 : i32 to index
        %get3A_401 = arith.constant 112 : index
        %get3A_402 = tpu.vector_load %arg6[%get3A_400, %get3A_401] {strides = array<i32>} : memref<80x128xi32, #tpu.memory_space<vmem>>, vector<1x16xi32>,
        %get3A_403 = vector.shape_cast %get3A_402 : vector<1x16xi32> to vector<16xi32>
        %and3A_404 = arith.constant 65535 : i32
        %and3A_405 = vector.broadcast %and3A_404 : i32 to vector<16xi32>
        %and3A_406 = arith.andi %get3A_403, %and3A_405 : vector<16xi32>
        %swap3A_407 = arith.constant 112 : index
        %swap3A_408 = tpu.vector_load %arg7[%swap3A_407] {strides = array<i32>} : memref<128xi32, #tpu.memory_space<vmem>>, vector<16xi32>,
        %swap3A_409 = vector.shape_cast %swap3A_408 : vector<16xi32> to vector<16xi32>
        %swap3A_410 = vector.shape_cast %and3A_406 : vector<16xi32> to vector<16xi32>
        tpu.vector_store %arg7[%swap3A_407], %swap3A_410 {strides = array<i32>} : memref<128xi32, #tpu.memory_space<vmem>>, vector<16xi32>,
        %shift_right_logical3A_411 = arith.constant 16 : i32
        %shift_right_logical3A_412 = vector.broadcast %shift_right_logical3A_411 : i32 to vector<16xi32>
        %shift_right_logical3A_413 = arith.shrui %get3A_403, %shift_right_logical3A_412 : vector<16xi32>
        %swap3A_414 = arith.constant 112 : index
        %swap3A_415 = tpu.vector_load %arg9[%swap3A_414] {strides = array<i32>} : memref<128xi32, #tpu.memory_space<vmem>>, vector<16xi32>,
        %swap3A_416 = vector.shape_cast %swap3A_415 : vector<16xi32> to vector<16xi32>
        %swap3A_417 = vector.shape_cast %shift_right_logical3A_413 : vector<16xi32> to vector<16xi32>
        tpu.vector_store %arg9[%swap3A_414], %swap3A_417 {strides = array<i32>} : memref<128xi32, #tpu.memory_space<vmem>>, vector<16xi32>,
        %dma_start3A_418 = arith.constant 0 : i32
        %dma_start3A_419 = arith.constant 0 : i32
        %dma_start3A_420 = tpu.memref_slice %arg2[%dma_start3A_418, %dma_start3A_419] : memref<10000x128xf32, #tpu.memory_space<hbm>> -> memref<10000x128xf32, #tpu.memory_space<hbm>>
        tpu.enqueue_indirect_dma source(%dma_start3A_420 : memref<10000x128xf32, #tpu.memory_space<hbm>>) target(%arg11 : memref<128x128xf32, #tpu.memory_space<vmem>>) offsets(%arg7 : memref<128xi32, #tpu.memory_space<vmem>>) semaphore(%arg14 : memref<!tpu.dma_semaphore, #tpu.memory_space<semaphore_mem>>)
      } else {
      }
      %dma_wait3A_234 = arith.constant 0 : i32
      %dma_wait3A_235 = arith.constant 0 : i32
      %dma_wait3A_236 = tpu.memref_slice %arg2[%dma_wait3A_234, %dma_wait3A_235] : memref<10000x128xf32, #tpu.memory_space<hbm>> -> memref<10000x128xf32, #tpu.memory_space<hbm>>
      tpu.wait_indirect_dma semaphore(%arg14 : memref<!tpu.dma_semaphore, #tpu.memory_space<semaphore_mem>>) src(%dma_wait3A_236 : memref<10000x128xf32, #tpu.memory_space<hbm>>) dst(%arg12 : memref<128x128xf32, #tpu.memory_space<vmem>>)
      %dma_start3A_237 = arith.constant 0 : i32
      %dma_start3A_238 = arith.constant 0 : i32
      %dma_start3A_239 = tpu.memref_slice %arg13[%dma_start3A_237, %dma_start3A_238] : memref<10112x128xf32, #tpu.memory_space<vmem_shared>> -> memref<10112x128xf32, #tpu.memory_space<vmem_shared>>
      tpu.enqueue_indirect_dma source(%arg12 : memref<128x128xf32, #tpu.memory_space<vmem>>) target(%dma_start3A_239 : memref<10112x128xf32, #tpu.memory_space<vmem_shared>>) offsets(%arg10 : memref<128xi32, #tpu.memory_space<vmem>>) semaphore(%arg15 : memref<!tpu.dma_semaphore, #tpu.memory_space<semaphore_mem>>) {add = true}
    }
    %scan3A_191 = arith.constant 40 : i32
    %dma_wait3A = arith.constant 0 : i32
    %dma_wait3A_192 = arith.constant 0 : i32
    %dma_wait3A_193 = tpu.memref_slice %arg13[%dma_wait3A, %dma_wait3A_192] : memref<10112x128xf32, #tpu.memory_space<vmem_shared>> -> memref<10112x128xf32, #tpu.memory_space<vmem_shared>>
    tpu.wait_indirect_dma semaphore(%arg15 : memref<!tpu.dma_semaphore, #tpu.memory_space<semaphore_mem>>) src(%arg12 : memref<128x128xf32, #tpu.memory_space<vmem>>) dst(%dma_wait3A_193 : memref<10112x128xf32, #tpu.memory_space<vmem_shared>>)
    %barrier3A_194 = arith.constant 0 : index
    tpu.barrier barrier_id(%barrier3A_194)
    %mul3A_195 = arith.constant 632 : i32
    %mul3A_196 = arith.muli %arg1, %mul3A_195 : i32
    %mul3A_197 = arith.constant 632 : i32
    %mul3A_198 = arith.muli %arg1, %mul3A_197 : i32
    "tpu.region"() ({
      %run_scoped3A = tpu.sem_alloc : memref<!tpu.dma_semaphore, #tpu.memory_space<semaphore_mem>>
      %dma_start3A_199 = arith.constant 0 : i32
      %dma_start3A_200 = tpu.memref_slice %arg5[%arg0, %mul3A_198, %dma_start3A_199] : memref<2x10112x128xf32, #tpu.memory_space<hbm>> -> memref<1x632x128xf32, #tpu.memory_space<hbm>>
      %dma_start3A_201 = tpu.memref_squeeze %dma_start3A_200 : memref<1x632x128xf32, #tpu.memory_space<hbm>> -> memref<632x128xf32, #tpu.memory_space<hbm>>
      %dma_start3A_202 = arith.constant 0 : i32
      %dma_start3A_203 = tpu.memref_slice %arg13[%mul3A_196, %dma_start3A_202] : memref<10112x128xf32, #tpu.memory_space<vmem_shared>> -> memref<632x128xf32, #tpu.memory_space<vmem_shared>>
      tpu.enqueue_dma source(%dma_start3A_203 : memref<632x128xf32, #tpu.memory_space<vmem_shared>>) target(%dma_start3A_201 : memref<632x128xf32, #tpu.memory_space<hbm>>) target_semaphore(%run_scoped3A : memref<!tpu.dma_semaphore, #tpu.memory_space<semaphore_mem>>)
      %dma_wait3A_204 = arith.constant 0 : i32
      %dma_wait3A_205 = tpu.memref_slice %arg5[%arg0, %mul3A_198, %dma_wait3A_204] : memref<2x10112x128xf32, #tpu.memory_space<hbm>> -> memref<1x632x128xf32, #tpu.memory_space<hbm>>
      %dma_wait3A_206 = tpu.memref_squeeze %dma_wait3A_205 : memref<1x632x128xf32, #tpu.memory_space<hbm>> -> memref<632x128xf32, #tpu.memory_space<hbm>>
      %dma_wait3A_207 = arith.constant 0 : i32
      %dma_wait3A_208 = tpu.memref_slice %arg13[%mul3A_196, %dma_wait3A_207] : memref<10112x128xf32, #tpu.memory_space<vmem_shared>> -> memref<632x128xf32, #tpu.memory_space<vmem_shared>>
      tpu.wait_dma2 semaphore(%run_scoped3A : memref<!tpu.dma_semaphore, #tpu.memory_space<semaphore_mem>>) src(%dma_wait3A_208 : memref<632x128xf32, #tpu.memory_space<vmem_shared>>) dst(%dma_wait3A_206 : memref<632x128xf32, #tpu.memory_space<hbm>>)
      tpu.yield
    }) : () -> ()
    return
  }
}

#map = affine_map<(d0, d1) -> (0, 0)>
#map1 = affine_map<(d0, d1) -> (0, 0, 0)>
module attributes {stable_mosaic.version = 14 : i64} {
  func.func @agg(%arg0: i32, %arg1: i32, %arg2: memref<10000x128xf32, #tpu.memory_space<hbm>>, %arg3: memref<32x80x128xi32, #tpu.memory_space<hbm>>, %arg4: memref<10112x128xf32, #tpu.memory_space<hbm>>, %arg5: memref<2x10112x128xf32, #tpu.memory_space<hbm>>, %arg6: memref<80x128xi32, #tpu.memory_space<vmem>>, %arg7: memref<128xi32, #tpu.memory_space<vmem>>, %arg8: memref<128xi32, #tpu.memory_space<vmem>>, %arg9: memref<128xi32, #tpu.memory_space<vmem>>, %arg10: memref<128xi32, #tpu.memory_space<vmem>>, %arg11: memref<128x128xf32, #tpu.memory_space<vmem>>, %arg12: memref<128x128xf32, #tpu.memory_space<vmem>>, %arg13: memref<10112x128xf32, #tpu.memory_space<vmem_shared>>, %arg14: memref<!tpu.dma_semaphore, #tpu.memory_space<semaphore_mem>>, %arg15: memref<!tpu.dma_semaphore, #tpu.memory_space<semaphore_mem>>) attributes {dimension_semantics = [#tpu.dimension_semantics<core_parallel>, #tpu.dimension_semantics<subcore_parallel>], iteration_bounds = array<i64: 2, 16>, scalar_prefetch = 0 : i64, scratch_operands = 10 : i64, tpu.core_type = #tpu.core_type<sc_vector_subcore>, window_params = [{transform_indices = #map}, {transform_indices = #map1}, {transform_indices = #map}, {transform_indices = #map1}]} {
    %mul3A = arith.constant 16 : i32
    %mul3A_0 = arith.muli %arg0, %mul3A : i32
    %add3A = arith.addi %mul3A_0, %arg1 : i32
    %mul3A_1 = arith.constant 632 : i32
    %mul3A_2 = arith.muli %arg1, %mul3A_1 : i32
    %mul3A_3 = arith.constant 632 : i32
    %mul3A_4 = arith.muli %arg1, %mul3A_3 : i32
    "tpu.region"() ({
      %run_scoped3A = tpu.sem_alloc : memref<!tpu.dma_semaphore, #tpu.memory_space<semaphore_mem>>
      %dma_start3A_199 = arith.constant 0 : i32
      %dma_start3A_200 = tpu.memref_slice %arg13[%mul3A_4, %dma_start3A_199] : memref<10112x128xf32, #tpu.memory_space<vmem_shared>> -> memref<632x128xf32, #tpu.memory_space<vmem_shared>>
      %dma_start3A_201 = arith.constant 0 : i32
      %dma_start3A_202 = tpu.memref_slice %arg4[%mul3A_2, %dma_start3A_201] : memref<10112x128xf32, #tpu.memory_space<hbm>> -> memref<632x128xf32, #tpu.memory_space<hbm>>
      tpu.enqueue_dma source(%dma_start3A_202 : memref<632x128xf32, #tpu.memory_space<hbm>>) target(%dma_start3A_200 : memref<632x128xf32, #tpu.memory_space<vmem_shared>>) target_semaphore(%run_scoped3A : memref<!tpu.dma_semaphore, #tpu.memory_space<semaphore_mem>>)
      %dma_wait3A_203 = arith.constant 0 : i32
      %dma_wait3A_204 = tpu.memref_slice %arg13[%mul3A_4, %dma_wait3A_203] : memref<10112x128xf32, #tpu.memory_space<vmem_shared>> -> memref<632x128xf32, #tpu.memory_space<vmem_shared>>
      %dma_wait3A_205 = arith.constant 0 : i32
      %dma_wait3A_206 = tpu.memref_slice %arg4[%mul3A_2, %dma_wait3A_205] : memref<10112x128xf32, #tpu.memory_space<hbm>> -> memref<632x128xf32, #tpu.memory_space<hbm>>
      tpu.wait_dma2 semaphore(%run_scoped3A : memref<!tpu.dma_semaphore, #tpu.memory_space<semaphore_mem>>) src(%dma_wait3A_206 : memref<632x128xf32, #tpu.memory_space<hbm>>) dst(%dma_wait3A_204 : memref<632x128xf32, #tpu.memory_space<vmem_shared>>)
      tpu.yield
    }) : () -> ()
    "tpu.region"() ({
      %run_scoped3A = tpu.sem_alloc : memref<!tpu.dma_semaphore, #tpu.memory_space<semaphore_mem>>
      %dma_start3A_199 = arith.constant 0 : i32
      %dma_start3A_200 = arith.constant 0 : i32
      %dma_start3A_201 = tpu.memref_slice %arg3[%add3A, %dma_start3A_199, %dma_start3A_200] : memref<32x80x128xi32, #tpu.memory_space<hbm>> -> memref<1x80x128xi32, #tpu.memory_space<hbm>>
      %dma_start3A_202 = tpu.memref_squeeze %dma_start3A_201 : memref<1x80x128xi32, #tpu.memory_space<hbm>> -> memref<80x128xi32, #tpu.memory_space<hbm>>
      %dma_start3A_203 = arith.constant 0 : i32
      %dma_start3A_204 = arith.constant 0 : i32
      %dma_start3A_205 = tpu.memref_slice %arg3[%add3A, %dma_start3A_203, %dma_start3A_204] : memref<32x80x128xi32, #tpu.memory_space<hbm>> -> memref<1x80x128xi32, #tpu.memory_space<hbm>>
      %dma_start3A_206 = tpu.memref_squeeze %dma_start3A_205 : memref<1x80x128xi32, #tpu.memory_space<hbm>> -> memref<80x128xi32, #tpu.memory_space<hbm>>
      tpu.enqueue_dma source(%dma_start3A_206 : memref<80x128xi32, #tpu.memory_space<hbm>>) target(%arg6 : memref<80x128xi32, #tpu.memory_space<vmem>>) target_semaphore(%run_scoped3A : memref<!tpu.dma_semaphore, #tpu.memory_space<semaphore_mem>>)
      %dma_wait3A_207 = arith.constant 0 : i32
      %dma_wait3A_208 = arith.constant 0 : i32
      %dma_wait3A_209 = tpu.memref_slice %arg3[%add3A, %dma_wait3A_207, %dma_wait3A_208] : memref<32x80x128xi32, #tpu.memory_space<hbm>> -> memref<1x80x128xi32, #tpu.memory_space<hbm>>
      %dma_wait3A_210 = tpu.memref_squeeze %dma_wait3A_209 : memref<1x80x128xi32, #tpu.memory_space<hbm>> -> memref<80x128xi32, #tpu.memory_space<hbm>>
      %dma_wait3A_211 = arith.constant 0 : i32
      %dma_wait3A_212 = arith.constant 0 : i32
      %dma_wait3A_213 = tpu.memref_slice %arg3[%add3A, %dma_wait3A_211, %dma_wait3A_212] : memref<32x80x128xi32, #tpu.memory_space<hbm>> -> memref<1x80x128xi32, #tpu.memory_space<hbm>>
      %dma_wait3A_214 = tpu.memref_squeeze %dma_wait3A_213 : memref<1x80x128xi32, #tpu.memory_space<hbm>> -> memref<80x128xi32, #tpu.memory_space<hbm>>
      tpu.wait_dma2 semaphore(%run_scoped3A : memref<!tpu.dma_semaphore, #tpu.memory_space<semaphore_mem>>) src(%dma_wait3A_214 : memref<80x128xi32, #tpu.memory_space<hbm>>) dst(%arg6 : memref<80x128xi32, #tpu.memory_space<vmem>>)
      tpu.yield
    }) : () -> ()
    %mul3A_5 = arith.constant 0 : i32
    %mul3A_6 = arith.constant 1 : i32
    %mul3A_7 = arith.muli %mul3A_5, %mul3A_6 : i32
    %add3A_8 = arith.constant 0 : i32
    %add3A_9 = arith.addi %mul3A_7, %add3A_8 : i32
    %get3A = arith.index_cast %add3A_9 : i32 to index
    %get3A_10 = arith.constant 0 : index
    %get3A_11 = tpu.vector_load %arg6[%get3A, %get3A_10] {strides = array<i32>} : memref<80x128xi32, #tpu.memory_space<vmem>>, vector<1x16xi32>,
    %get3A_12 = vector.shape_cast %get3A_11 : vector<1x16xi32> to vector<16xi32>
    %and3A = arith.constant 65535 : i32
    %and3A_13 = vector.broadcast %and3A : i32 to vector<16xi32>
    %and3A_14 = arith.andi %get3A_12, %and3A_13 : vector<16xi32>
    %swap3A = arith.constant 0 : index
    %swap3A_15 = tpu.vector_load %arg7[%swap3A] {strides = array<i32>} : memref<128xi32, #tpu.memory_space<vmem>>, vector<16xi32>,
    %swap3A_16 = vector.shape_cast %swap3A_15 : vector<16xi32> to vector<16xi32>
    %swap3A_17 = vector.shape_cast %and3A_14 : vector<16xi32> to vector<16xi32>
    tpu.vector_store %arg7[%swap3A], %swap3A_17 {strides = array<i32>} : memref<128xi32, #tpu.memory_space<vmem>>, vector<16xi32>,
    %shift_right_logical3A = arith.constant 16 : i32
    %shift_right_logical3A_18 = vector.broadcast %shift_right_logical3A : i32 to vector<16xi32>
    %shift_right_logical3A_19 = arith.shrui %get3A_12, %shift_right_logical3A_18 : vector<16xi32>
    %swap3A_20 = arith.constant 0 : index
    %swap3A_21 = tpu.vector_load %arg9[%swap3A_20] {strides = array<i32>} : memref<128xi32, #tpu.memory_space<vmem>>, vector<16xi32>,
    %swap3A_22 = vector.shape_cast %swap3A_21 : vector<16xi32> to vector<16xi32>
    %swap3A_23 = vector.shape_cast %shift_right_logical3A_19 : vector<16xi32> to vector<16xi32>
    tpu.vector_store %arg9[%swap3A_20], %swap3A_23 {strides = array<i32>} : memref<128xi32, #tpu.memory_space<vmem>>, vector<16xi32>,
    %mul3A_24 = arith.constant 0 : i32
    %mul3A_25 = arith.constant 1 : i32
    %mul3A_26 = arith.muli %mul3A_24, %mul3A_25 : i32
    %add3A_27 = arith.constant 0 : i32
    %add3A_28 = arith.addi %mul3A_26, %add3A_27 : i32
    %get3A_29 = arith.index_cast %add3A_28 : i32 to index
    %get3A_30 = arith.constant 16 : index
    %get3A_31 = tpu.vector_load %arg6[%get3A_29, %get3A_30] {strides = array<i32>} : memref<80x128xi32, #tpu.memory_space<vmem>>, vector<1x16xi32>,
    %get3A_32 = vector.shape_cast %get3A_31 : vector<1x16xi32> to vector<16xi32>
    %and3A_33 = arith.constant 65535 : i32
    %and3A_34 = vector.broadcast %and3A_33 : i32 to vector<16xi32>
    %and3A_35 = arith.andi %get3A_32, %and3A_34 : vector<16xi32>
    %swap3A_36 = arith.constant 16 : index
    %swap3A_37 = tpu.vector_load %arg7[%swap3A_36] {strides = array<i32>} : memref<128xi32, #tpu.memory_space<vmem>>, vector<16xi32>,
    %swap3A_38 = vector.shape_cast %swap3A_37 : vector<16xi32> to vector<16xi32>
    %swap3A_39 = vector.shape_cast %and3A_35 : vector<16xi32> to vector<16xi32>
    tpu.vector_store %arg7[%swap3A_36], %swap3A_39 {strides = array<i32>} : memref<128xi32, #tpu.memory_space<vmem>>, vector<16xi32>,
    %shift_right_logical3A_40 = arith.constant 16 : i32
    %shift_right_logical3A_41 = vector.broadcast %shift_right_logical3A_40 : i32 to vector<16xi32>
    %shift_right_logical3A_42 = arith.shrui %get3A_32, %shift_right_logical3A_41 : vector<16xi32>
    %swap3A_43 = arith.constant 16 : index
    %swap3A_44 = tpu.vector_load %arg9[%swap3A_43] {strides = array<i32>} : memref<128xi32, #tpu.memory_space<vmem>>, vector<16xi32>,
    %swap3A_45 = vector.shape_cast %swap3A_44 : vector<16xi32> to vector<16xi32>
    %swap3A_46 = vector.shape_cast %shift_right_logical3A_42 : vector<16xi32> to vector<16xi32>
    tpu.vector_store %arg9[%swap3A_43], %swap3A_46 {strides = array<i32>} : memref<128xi32, #tpu.memory_space<vmem>>, vector<16xi32>,
    %mul3A_47 = arith.constant 0 : i32
    %mul3A_48 = arith.constant 1 : i32
    %mul3A_49 = arith.muli %mul3A_47, %mul3A_48 : i32
    %add3A_50 = arith.constant 0 : i32
    %add3A_51 = arith.addi %mul3A_49, %add3A_50 : i32
    %get3A_52 = arith.index_cast %add3A_51 : i32 to index
    %get3A_53 = arith.constant 32 : index
    %get3A_54 = tpu.vector_load %arg6[%get3A_52, %get3A_53] {strides = array<i32>} : memref<80x128xi32, #tpu.memory_space<vmem>>, vector<1x16xi32>,
    %get3A_55 = vector.shape_cast %get3A_54 : vector<1x16xi32> to vector<16xi32>
    %and3A_56 = arith.constant 65535 : i32
    %and3A_57 = vector.broadcast %and3A_56 : i32 to vector<16xi32>
    %and3A_58 = arith.andi %get3A_55, %and3A_57 : vector<16xi32>
    %swap3A_59 = arith.constant 32 : index
    %swap3A_60 = tpu.vector_load %arg7[%swap3A_59] {strides = array<i32>} : memref<128xi32, #tpu.memory_space<vmem>>, vector<16xi32>,
    %swap3A_61 = vector.shape_cast %swap3A_60 : vector<16xi32> to vector<16xi32>
    %swap3A_62 = vector.shape_cast %and3A_58 : vector<16xi32> to vector<16xi32>
    tpu.vector_store %arg7[%swap3A_59], %swap3A_62 {strides = array<i32>} : memref<128xi32, #tpu.memory_space<vmem>>, vector<16xi32>,
    %shift_right_logical3A_63 = arith.constant 16 : i32
    %shift_right_logical3A_64 = vector.broadcast %shift_right_logical3A_63 : i32 to vector<16xi32>
    %shift_right_logical3A_65 = arith.shrui %get3A_55, %shift_right_logical3A_64 : vector<16xi32>
    %swap3A_66 = arith.constant 32 : index
    %swap3A_67 = tpu.vector_load %arg9[%swap3A_66] {strides = array<i32>} : memref<128xi32, #tpu.memory_space<vmem>>, vector<16xi32>,
    %swap3A_68 = vector.shape_cast %swap3A_67 : vector<16xi32> to vector<16xi32>
    %swap3A_69 = vector.shape_cast %shift_right_logical3A_65 : vector<16xi32> to vector<16xi32>
    tpu.vector_store %arg9[%swap3A_66], %swap3A_69 {strides = array<i32>} : memref<128xi32, #tpu.memory_space<vmem>>, vector<16xi32>,
    %mul3A_70 = arith.constant 0 : i32
    %mul3A_71 = arith.constant 1 : i32
    %mul3A_72 = arith.muli %mul3A_70, %mul3A_71 : i32
    %add3A_73 = arith.constant 0 : i32
    %add3A_74 = arith.addi %mul3A_72, %add3A_73 : i32
    %get3A_75 = arith.index_cast %add3A_74 : i32 to index
    %get3A_76 = arith.constant 48 : index
    %get3A_77 = tpu.vector_load %arg6[%get3A_75, %get3A_76] {strides = array<i32>} : memref<80x128xi32, #tpu.memory_space<vmem>>, vector<1x16xi32>,
    %get3A_78 = vector.shape_cast %get3A_77 : vector<1x16xi32> to vector<16xi32>
    %and3A_79 = arith.constant 65535 : i32
    %and3A_80 = vector.broadcast %and3A_79 : i32 to vector<16xi32>
    %and3A_81 = arith.andi %get3A_78, %and3A_80 : vector<16xi32>
    %swap3A_82 = arith.constant 48 : index
    %swap3A_83 = tpu.vector_load %arg7[%swap3A_82] {strides = array<i32>} : memref<128xi32, #tpu.memory_space<vmem>>, vector<16xi32>,
    %swap3A_84 = vector.shape_cast %swap3A_83 : vector<16xi32> to vector<16xi32>
    %swap3A_85 = vector.shape_cast %and3A_81 : vector<16xi32> to vector<16xi32>
    tpu.vector_store %arg7[%swap3A_82], %swap3A_85 {strides = array<i32>} : memref<128xi32, #tpu.memory_space<vmem>>, vector<16xi32>,
    %shift_right_logical3A_86 = arith.constant 16 : i32
    %shift_right_logical3A_87 = vector.broadcast %shift_right_logical3A_86 : i32 to vector<16xi32>
    %shift_right_logical3A_88 = arith.shrui %get3A_78, %shift_right_logical3A_87 : vector<16xi32>
    %swap3A_89 = arith.constant 48 : index
    %swap3A_90 = tpu.vector_load %arg9[%swap3A_89] {strides = array<i32>} : memref<128xi32, #tpu.memory_space<vmem>>, vector<16xi32>,
    %swap3A_91 = vector.shape_cast %swap3A_90 : vector<16xi32> to vector<16xi32>
    %swap3A_92 = vector.shape_cast %shift_right_logical3A_88 : vector<16xi32> to vector<16xi32>
    tpu.vector_store %arg9[%swap3A_89], %swap3A_92 {strides = array<i32>} : memref<128xi32, #tpu.memory_space<vmem>>, vector<16xi32>,
    %mul3A_93 = arith.constant 0 : i32
    %mul3A_94 = arith.constant 1 : i32
    %mul3A_95 = arith.muli %mul3A_93, %mul3A_94 : i32
    %add3A_96 = arith.constant 0 : i32
    %add3A_97 = arith.addi %mul3A_95, %add3A_96 : i32
    %get3A_98 = arith.index_cast %add3A_97 : i32 to index
    %get3A_99 = arith.constant 64 : index
    %get3A_100 = tpu.vector_load %arg6[%get3A_98, %get3A_99] {strides = array<i32>} : memref<80x128xi32, #tpu.memory_space<vmem>>, vector<1x16xi32>,
    %get3A_101 = vector.shape_cast %get3A_100 : vector<1x16xi32> to vector<16xi32>
    %and3A_102 = arith.constant 65535 : i32
    %and3A_103 = vector.broadcast %and3A_102 : i32 to vector<16xi32>
    %and3A_104 = arith.andi %get3A_101, %and3A_103 : vector<16xi32>
    %swap3A_105 = arith.constant 64 : index
    %swap3A_106 = tpu.vector_load %arg7[%swap3A_105] {strides = array<i32>} : memref<128xi32, #tpu.memory_space<vmem>>, vector<16xi32>,
    %swap3A_107 = vector.shape_cast %swap3A_106 : vector<16xi32> to vector<16xi32>
    %swap3A_108 = vector.shape_cast %and3A_104 : vector<16xi32> to vector<16xi32>
    tpu.vector_store %arg7[%swap3A_105], %swap3A_108 {strides = array<i32>} : memref<128xi32, #tpu.memory_space<vmem>>, vector<16xi32>,
    %shift_right_logical3A_109 = arith.constant 16 : i32
    %shift_right_logical3A_110 = vector.broadcast %shift_right_logical3A_109 : i32 to vector<16xi32>
    %shift_right_logical3A_111 = arith.shrui %get3A_101, %shift_right_logical3A_110 : vector<16xi32>
    %swap3A_112 = arith.constant 64 : index
    %swap3A_113 = tpu.vector_load %arg9[%swap3A_112] {strides = array<i32>} : memref<128xi32, #tpu.memory_space<vmem>>, vector<16xi32>,
    %swap3A_114 = vector.shape_cast %swap3A_113 : vector<16xi32> to vector<16xi32>
    %swap3A_115 = vector.shape_cast %shift_right_logical3A_111 : vector<16xi32> to vector<16xi32>
    tpu.vector_store %arg9[%swap3A_112], %swap3A_115 {strides = array<i32>} : memref<128xi32, #tpu.memory_space<vmem>>, vector<16xi32>,
    %mul3A_116 = arith.constant 0 : i32
    %mul3A_117 = arith.constant 1 : i32
    %mul3A_118 = arith.muli %mul3A_116, %mul3A_117 : i32
    %add3A_119 = arith.constant 0 : i32
    %add3A_120 = arith.addi %mul3A_118, %add3A_119 : i32
    %get3A_121 = arith.index_cast %add3A_120 : i32 to index
    %get3A_122 = arith.constant 80 : index
    %get3A_123 = tpu.vector_load %arg6[%get3A_121, %get3A_122] {strides = array<i32>} : memref<80x128xi32, #tpu.memory_space<vmem>>, vector<1x16xi32>,
    %get3A_124 = vector.shape_cast %get3A_123 : vector<1x16xi32> to vector<16xi32>
    %and3A_125 = arith.constant 65535 : i32
    %and3A_126 = vector.broadcast %and3A_125 : i32 to vector<16xi32>
    %and3A_127 = arith.andi %get3A_124, %and3A_126 : vector<16xi32>
    %swap3A_128 = arith.constant 80 : index
    %swap3A_129 = tpu.vector_load %arg7[%swap3A_128] {strides = array<i32>} : memref<128xi32, #tpu.memory_space<vmem>>, vector<16xi32>,
    %swap3A_130 = vector.shape_cast %swap3A_129 : vector<16xi32> to vector<16xi32>
    %swap3A_131 = vector.shape_cast %and3A_127 : vector<16xi32> to vector<16xi32>
    tpu.vector_store %arg7[%swap3A_128], %swap3A_131 {strides = array<i32>} : memref<128xi32, #tpu.memory_space<vmem>>, vector<16xi32>,
    %shift_right_logical3A_132 = arith.constant 16 : i32
    %shift_right_logical3A_133 = vector.broadcast %shift_right_logical3A_132 : i32 to vector<16xi32>
    %shift_right_logical3A_134 = arith.shrui %get3A_124, %shift_right_logical3A_133 : vector<16xi32>
    %swap3A_135 = arith.constant 80 : index
    %swap3A_136 = tpu.vector_load %arg9[%swap3A_135] {strides = array<i32>} : memref<128xi32, #tpu.memory_space<vmem>>, vector<16xi32>,
    %swap3A_137 = vector.shape_cast %swap3A_136 : vector<16xi32> to vector<16xi32>
    %swap3A_138 = vector.shape_cast %shift_right_logical3A_134 : vector<16xi32> to vector<16xi32>
    tpu.vector_store %arg9[%swap3A_135], %swap3A_138 {strides = array<i32>} : memref<128xi32, #tpu.memory_space<vmem>>, vector<16xi32>,
    %mul3A_139 = arith.constant 0 : i32
    %mul3A_140 = arith.constant 1 : i32
    %mul3A_141 = arith.muli %mul3A_139, %mul3A_140 : i32
    %add3A_142 = arith.constant 0 : i32
    %add3A_143 = arith.addi %mul3A_141, %add3A_142 : i32
    %get3A_144 = arith.index_cast %add3A_143 : i32 to index
    %get3A_145 = arith.constant 96 : index
    %get3A_146 = tpu.vector_load %arg6[%get3A_144, %get3A_145] {strides = array<i32>} : memref<80x128xi32, #tpu.memory_space<vmem>>, vector<1x16xi32>,
    %get3A_147 = vector.shape_cast %get3A_146 : vector<1x16xi32> to vector<16xi32>
    %and3A_148 = arith.constant 65535 : i32
    %and3A_149 = vector.broadcast %and3A_148 : i32 to vector<16xi32>
    %and3A_150 = arith.andi %get3A_147, %and3A_149 : vector<16xi32>
    %swap3A_151 = arith.constant 96 : index
    %swap3A_152 = tpu.vector_load %arg7[%swap3A_151] {strides = array<i32>} : memref<128xi32, #tpu.memory_space<vmem>>, vector<16xi32>,
    %swap3A_153 = vector.shape_cast %swap3A_152 : vector<16xi32> to vector<16xi32>
    %swap3A_154 = vector.shape_cast %and3A_150 : vector<16xi32> to vector<16xi32>
    tpu.vector_store %arg7[%swap3A_151], %swap3A_154 {strides = array<i32>} : memref<128xi32, #tpu.memory_space<vmem>>, vector<16xi32>,
    %shift_right_logical3A_155 = arith.constant 16 : i32
    %shift_right_logical3A_156 = vector.broadcast %shift_right_logical3A_155 : i32 to vector<16xi32>
    %shift_right_logical3A_157 = arith.shrui %get3A_147, %shift_right_logical3A_156 : vector<16xi32>
    %swap3A_158 = arith.constant 96 : index
    %swap3A_159 = tpu.vector_load %arg9[%swap3A_158] {strides = array<i32>} : memref<128xi32, #tpu.memory_space<vmem>>, vector<16xi32>,
    %swap3A_160 = vector.shape_cast %swap3A_159 : vector<16xi32> to vector<16xi32>
    %swap3A_161 = vector.shape_cast %shift_right_logical3A_157 : vector<16xi32> to vector<16xi32>
    tpu.vector_store %arg9[%swap3A_158], %swap3A_161 {strides = array<i32>} : memref<128xi32, #tpu.memory_space<vmem>>, vector<16xi32>,
    %mul3A_162 = arith.constant 0 : i32
    %mul3A_163 = arith.constant 1 : i32
    %mul3A_164 = arith.muli %mul3A_162, %mul3A_163 : i32
    %add3A_165 = arith.constant 0 : i32
    %add3A_166 = arith.addi %mul3A_164, %add3A_165 : i32
    %get3A_167 = arith.index_cast %add3A_166 : i32 to index
    %get3A_168 = arith.constant 112 : index
    %get3A_169 = tpu.vector_load %arg6[%get3A_167, %get3A_168] {strides = array<i32>} : memref<80x128xi32, #tpu.memory_space<vmem>>, vector<1x16xi32>,
    %get3A_170 = vector.shape_cast %get3A_169 : vector<1x16xi32> to vector<16xi32>
    %and3A_171 = arith.constant 65535 : i32
    %and3A_172 = vector.broadcast %and3A_171 : i32 to vector<16xi32>
    %and3A_173 = arith.andi %get3A_170, %and3A_172 : vector<16xi32>
    %swap3A_174 = arith.constant 112 : index
    %swap3A_175 = tpu.vector_load %arg7[%swap3A_174] {strides = array<i32>} : memref<128xi32, #tpu.memory_space<vmem>>, vector<16xi32>,
    %swap3A_176 = vector.shape_cast %swap3A_175 : vector<16xi32> to vector<16xi32>
    %swap3A_177 = vector.shape_cast %and3A_173 : vector<16xi32> to vector<16xi32>
    tpu.vector_store %arg7[%swap3A_174], %swap3A_177 {strides = array<i32>} : memref<128xi32, #tpu.memory_space<vmem>>, vector<16xi32>,
    %shift_right_logical3A_178 = arith.constant 16 : i32
    %shift_right_logical3A_179 = vector.broadcast %shift_right_logical3A_178 : i32 to vector<16xi32>
    %shift_right_logical3A_180 = arith.shrui %get3A_170, %shift_right_logical3A_179 : vector<16xi32>
    %swap3A_181 = arith.constant 112 : index
    %swap3A_182 = tpu.vector_load %arg9[%swap3A_181] {strides = array<i32>} : memref<128xi32, #tpu.memory_space<vmem>>, vector<16xi32>,
    %swap3A_183 = vector.shape_cast %swap3A_182 : vector<16xi32> to vector<16xi32>
    %swap3A_184 = vector.shape_cast %shift_right_logical3A_180 : vector<16xi32> to vector<16xi32>
    tpu.vector_store %arg9[%swap3A_181], %swap3A_184 {strides = array<i32>} : memref<128xi32, #tpu.memory_space<vmem>>, vector<16xi32>,
    %dma_start3A = arith.constant 0 : i32
    %dma_start3A_185 = arith.constant 0 : i32
    %dma_start3A_186 = tpu.memref_slice %arg2[%dma_start3A, %dma_start3A_185] : memref<10000x128xf32, #tpu.memory_space<hbm>> -> memref<10000x128xf32, #tpu.memory_space<hbm>>
    tpu.enqueue_indirect_dma source(%dma_start3A_186 : memref<10000x128xf32, #tpu.memory_space<hbm>>) target(%arg11 : memref<128x128xf32, #tpu.memory_space<vmem>>) offsets(%arg7 : memref<128xi32, #tpu.memory_space<vmem>>) semaphore(%arg14 : memref<!tpu.dma_semaphore, #tpu.memory_space<semaphore_mem>>)
    %barrier3A = arith.constant 0 : index
    tpu.barrier barrier_id(%barrier3A)
    %scan3A = arith.constant 0 : i32
    %scan3A_187 = arith.constant 0 : i32
    %scan3A_188 = arith.constant 40 : i32
    %scan3A_189 = arith.addi %scan3A_187, %scan3A_188 : i32
    %scan3A_190 = arith.constant 1 : i32
    scf.for %scan3A_199 = %scan3A_187 to %scan3A_189 step %scan3A_190  : i32 {
      %mul3A_200 = arith.constant 2 : i32
      %mul3A_201 = arith.muli %scan3A_199, %mul3A_200 : i32
      %add3A_202 = arith.constant 0 : i32
      %add3A_203 = arith.addi %mul3A_201, %add3A_202 : i32
      %ge3A = arith.constant 1 : i32
      %ge3A_204 = arith.cmpi sge, %add3A_203, %ge3A : i32
      %convert_element_type3A = arith.extui %ge3A_204 : i1 to i32
      %cond3A = arith.constant 0 : i32
      %cond3A_205 = arith.cmpi ne, %convert_element_type3A, %cond3A : i32
      scf.if %cond3A_205 {
        %dma_wait3A_240 = arith.constant 0 : i32
        %dma_wait3A_241 = arith.constant 0 : i32
        %dma_wait3A_242 = tpu.memref_slice %arg13[%dma_wait3A_240, %dma_wait3A_241] : memref<10112x128xf32, #tpu.memory_space<vmem_shared>> -> memref<10112x128xf32, #tpu.memory_space<vmem_shared>>
        tpu.wait_indirect_dma semaphore(%arg15 : memref<!tpu.dma_semaphore, #tpu.memory_space<semaphore_mem>>) src(%arg12 : memref<128x128xf32, #tpu.memory_space<vmem>>) dst(%dma_wait3A_242 : memref<10112x128xf32, #tpu.memory_space<vmem_shared>>)
      } else {
      }
      %add3A_206 = arith.constant 1 : i32
      %add3A_207 = arith.addi %add3A_203, %add3A_206 : i32
      %lt3A = arith.constant 80 : i32
      %lt3A_208 = arith.cmpi slt, %add3A_207, %lt3A : i32
      %convert_element_type3A_209 = arith.extui %lt3A_208 : i1 to i32
      %cond3A_210 = arith.constant 0 : i32
      %cond3A_211 = arith.cmpi ne, %convert_element_type3A_209, %cond3A_210 : i32
      scf.if %cond3A_211 {
        %add3A_240 = arith.constant 1 : i32
        %add3A_241 = arith.addi %add3A_203, %add3A_240 : i32
        %mul3A_242 = arith.constant 1 : i32
        %mul3A_243 = arith.muli %add3A_241, %mul3A_242 : i32
        %add3A_244 = arith.constant 0 : i32
        %add3A_245 = arith.addi %mul3A_243, %add3A_244 : i32
        %get3A_246 = arith.index_cast %add3A_245 : i32 to index
        %get3A_247 = arith.constant 0 : index
        %get3A_248 = tpu.vector_load %arg6[%get3A_246, %get3A_247] {strides = array<i32>} : memref<80x128xi32, #tpu.memory_space<vmem>>, vector<1x16xi32>,
        %get3A_249 = vector.shape_cast %get3A_248 : vector<1x16xi32> to vector<16xi32>
        %and3A_250 = arith.constant 65535 : i32
        %and3A_251 = vector.broadcast %and3A_250 : i32 to vector<16xi32>
        %and3A_252 = arith.andi %get3A_249, %and3A_251 : vector<16xi32>
        %swap3A_253 = arith.constant 0 : index
        %swap3A_254 = tpu.vector_load %arg8[%swap3A_253] {strides = array<i32>} : memref<128xi32, #tpu.memory_space<vmem>>, vector<16xi32>,
        %swap3A_255 = vector.shape_cast %swap3A_254 : vector<16xi32> to vector<16xi32>
        %swap3A_256 = vector.shape_cast %and3A_252 : vector<16xi32> to vector<16xi32>
        tpu.vector_store %arg8[%swap3A_253], %swap3A_256 {strides = array<i32>} : memref<128xi32, #tpu.memory_space<vmem>>, vector<16xi32>,
        %shift_right_logical3A_257 = arith.constant 16 : i32
        %shift_right_logical3A_258 = vector.broadcast %shift_right_logical3A_257 : i32 to vector<16xi32>
        %shift_right_logical3A_259 = arith.shrui %get3A_249, %shift_right_logical3A_258 : vector<16xi32>
        %swap3A_260 = arith.constant 0 : index
        %swap3A_261 = tpu.vector_load %arg10[%swap3A_260] {strides = array<i32>} : memref<128xi32, #tpu.memory_space<vmem>>, vector<16xi32>,
        %swap3A_262 = vector.shape_cast %swap3A_261 : vector<16xi32> to vector<16xi32>
        %swap3A_263 = vector.shape_cast %shift_right_logical3A_259 : vector<16xi32> to vector<16xi32>
        tpu.vector_store %arg10[%swap3A_260], %swap3A_263 {strides = array<i32>} : memref<128xi32, #tpu.memory_space<vmem>>, vector<16xi32>,
        %mul3A_264 = arith.constant 1 : i32
        %mul3A_265 = arith.muli %add3A_241, %mul3A_264 : i32
        %add3A_266 = arith.constant 0 : i32
        %add3A_267 = arith.addi %mul3A_265, %add3A_266 : i32
        %get3A_268 = arith.index_cast %add3A_267 : i32 to index
        %get3A_269 = arith.constant 16 : index
        %get3A_270 = tpu.vector_load %arg6[%get3A_268, %get3A_269] {strides = array<i32>} : memref<80x128xi32, #tpu.memory_space<vmem>>, vector<1x16xi32>,
        %get3A_271 = vector.shape_cast %get3A_270 : vector<1x16xi32> to vector<16xi32>
        %and3A_272 = arith.constant 65535 : i32
        %and3A_273 = vector.broadcast %and3A_272 : i32 to vector<16xi32>
        %and3A_274 = arith.andi %get3A_271, %and3A_273 : vector<16xi32>
        %swap3A_275 = arith.constant 16 : index
        %swap3A_276 = tpu.vector_load %arg8[%swap3A_275] {strides = array<i32>} : memref<128xi32, #tpu.memory_space<vmem>>, vector<16xi32>,
        %swap3A_277 = vector.shape_cast %swap3A_276 : vector<16xi32> to vector<16xi32>
        %swap3A_278 = vector.shape_cast %and3A_274 : vector<16xi32> to vector<16xi32>
        tpu.vector_store %arg8[%swap3A_275], %swap3A_278 {strides = array<i32>} : memref<128xi32, #tpu.memory_space<vmem>>, vector<16xi32>,
        %shift_right_logical3A_279 = arith.constant 16 : i32
        %shift_right_logical3A_280 = vector.broadcast %shift_right_logical3A_279 : i32 to vector<16xi32>
        %shift_right_logical3A_281 = arith.shrui %get3A_271, %shift_right_logical3A_280 : vector<16xi32>
        %swap3A_282 = arith.constant 16 : index
        %swap3A_283 = tpu.vector_load %arg10[%swap3A_282] {strides = array<i32>} : memref<128xi32, #tpu.memory_space<vmem>>, vector<16xi32>,
        %swap3A_284 = vector.shape_cast %swap3A_283 : vector<16xi32> to vector<16xi32>
        %swap3A_285 = vector.shape_cast %shift_right_logical3A_281 : vector<16xi32> to vector<16xi32>
        tpu.vector_store %arg10[%swap3A_282], %swap3A_285 {strides = array<i32>} : memref<128xi32, #tpu.memory_space<vmem>>, vector<16xi32>,
        %mul3A_286 = arith.constant 1 : i32
        %mul3A_287 = arith.muli %add3A_241, %mul3A_286 : i32
        %add3A_288 = arith.constant 0 : i32
        %add3A_289 = arith.addi %mul3A_287, %add3A_288 : i32
        %get3A_290 = arith.index_cast %add3A_289 : i32 to index
        %get3A_291 = arith.constant 32 : index
        %get3A_292 = tpu.vector_load %arg6[%get3A_290, %get3A_291] {strides = array<i32>} : memref<80x128xi32, #tpu.memory_space<vmem>>, vector<1x16xi32>,
        %get3A_293 = vector.shape_cast %get3A_292 : vector<1x16xi32> to vector<16xi32>
        %and3A_294 = arith.constant 65535 : i32
        %and3A_295 = vector.broadcast %and3A_294 : i32 to vector<16xi32>
        %and3A_296 = arith.andi %get3A_293, %and3A_295 : vector<16xi32>
        %swap3A_297 = arith.constant 32 : index
        %swap3A_298 = tpu.vector_load %arg8[%swap3A_297] {strides = array<i32>} : memref<128xi32, #tpu.memory_space<vmem>>, vector<16xi32>,
        %swap3A_299 = vector.shape_cast %swap3A_298 : vector<16xi32> to vector<16xi32>
        %swap3A_300 = vector.shape_cast %and3A_296 : vector<16xi32> to vector<16xi32>
        tpu.vector_store %arg8[%swap3A_297], %swap3A_300 {strides = array<i32>} : memref<128xi32, #tpu.memory_space<vmem>>, vector<16xi32>,
        %shift_right_logical3A_301 = arith.constant 16 : i32
        %shift_right_logical3A_302 = vector.broadcast %shift_right_logical3A_301 : i32 to vector<16xi32>
        %shift_right_logical3A_303 = arith.shrui %get3A_293, %shift_right_logical3A_302 : vector<16xi32>
        %swap3A_304 = arith.constant 32 : index
        %swap3A_305 = tpu.vector_load %arg10[%swap3A_304] {strides = array<i32>} : memref<128xi32, #tpu.memory_space<vmem>>, vector<16xi32>,
        %swap3A_306 = vector.shape_cast %swap3A_305 : vector<16xi32> to vector<16xi32>
        %swap3A_307 = vector.shape_cast %shift_right_logical3A_303 : vector<16xi32> to vector<16xi32>
        tpu.vector_store %arg10[%swap3A_304], %swap3A_307 {strides = array<i32>} : memref<128xi32, #tpu.memory_space<vmem>>, vector<16xi32>,
        %mul3A_308 = arith.constant 1 : i32
        %mul3A_309 = arith.muli %add3A_241, %mul3A_308 : i32
        %add3A_310 = arith.constant 0 : i32
        %add3A_311 = arith.addi %mul3A_309, %add3A_310 : i32
        %get3A_312 = arith.index_cast %add3A_311 : i32 to index
        %get3A_313 = arith.constant 48 : index
        %get3A_314 = tpu.vector_load %arg6[%get3A_312, %get3A_313] {strides = array<i32>} : memref<80x128xi32, #tpu.memory_space<vmem>>, vector<1x16xi32>,
        %get3A_315 = vector.shape_cast %get3A_314 : vector<1x16xi32> to vector<16xi32>
        %and3A_316 = arith.constant 65535 : i32
        %and3A_317 = vector.broadcast %and3A_316 : i32 to vector<16xi32>
        %and3A_318 = arith.andi %get3A_315, %and3A_317 : vector<16xi32>
        %swap3A_319 = arith.constant 48 : index
        %swap3A_320 = tpu.vector_load %arg8[%swap3A_319] {strides = array<i32>} : memref<128xi32, #tpu.memory_space<vmem>>, vector<16xi32>,
        %swap3A_321 = vector.shape_cast %swap3A_320 : vector<16xi32> to vector<16xi32>
        %swap3A_322 = vector.shape_cast %and3A_318 : vector<16xi32> to vector<16xi32>
        tpu.vector_store %arg8[%swap3A_319], %swap3A_322 {strides = array<i32>} : memref<128xi32, #tpu.memory_space<vmem>>, vector<16xi32>,
        %shift_right_logical3A_323 = arith.constant 16 : i32
        %shift_right_logical3A_324 = vector.broadcast %shift_right_logical3A_323 : i32 to vector<16xi32>
        %shift_right_logical3A_325 = arith.shrui %get3A_315, %shift_right_logical3A_324 : vector<16xi32>
        %swap3A_326 = arith.constant 48 : index
        %swap3A_327 = tpu.vector_load %arg10[%swap3A_326] {strides = array<i32>} : memref<128xi32, #tpu.memory_space<vmem>>, vector<16xi32>,
        %swap3A_328 = vector.shape_cast %swap3A_327 : vector<16xi32> to vector<16xi32>
        %swap3A_329 = vector.shape_cast %shift_right_logical3A_325 : vector<16xi32> to vector<16xi32>
        tpu.vector_store %arg10[%swap3A_326], %swap3A_329 {strides = array<i32>} : memref<128xi32, #tpu.memory_space<vmem>>, vector<16xi32>,
        %mul3A_330 = arith.constant 1 : i32
        %mul3A_331 = arith.muli %add3A_241, %mul3A_330 : i32
        %add3A_332 = arith.constant 0 : i32
        %add3A_333 = arith.addi %mul3A_331, %add3A_332 : i32
        %get3A_334 = arith.index_cast %add3A_333 : i32 to index
        %get3A_335 = arith.constant 64 : index
        %get3A_336 = tpu.vector_load %arg6[%get3A_334, %get3A_335] {strides = array<i32>} : memref<80x128xi32, #tpu.memory_space<vmem>>, vector<1x16xi32>,
        %get3A_337 = vector.shape_cast %get3A_336 : vector<1x16xi32> to vector<16xi32>
        %and3A_338 = arith.constant 65535 : i32
        %and3A_339 = vector.broadcast %and3A_338 : i32 to vector<16xi32>
        %and3A_340 = arith.andi %get3A_337, %and3A_339 : vector<16xi32>
        %swap3A_341 = arith.constant 64 : index
        %swap3A_342 = tpu.vector_load %arg8[%swap3A_341] {strides = array<i32>} : memref<128xi32, #tpu.memory_space<vmem>>, vector<16xi32>,
        %swap3A_343 = vector.shape_cast %swap3A_342 : vector<16xi32> to vector<16xi32>
        %swap3A_344 = vector.shape_cast %and3A_340 : vector<16xi32> to vector<16xi32>
        tpu.vector_store %arg8[%swap3A_341], %swap3A_344 {strides = array<i32>} : memref<128xi32, #tpu.memory_space<vmem>>, vector<16xi32>,
        %shift_right_logical3A_345 = arith.constant 16 : i32
        %shift_right_logical3A_346 = vector.broadcast %shift_right_logical3A_345 : i32 to vector<16xi32>
        %shift_right_logical3A_347 = arith.shrui %get3A_337, %shift_right_logical3A_346 : vector<16xi32>
        %swap3A_348 = arith.constant 64 : index
        %swap3A_349 = tpu.vector_load %arg10[%swap3A_348] {strides = array<i32>} : memref<128xi32, #tpu.memory_space<vmem>>, vector<16xi32>,
        %swap3A_350 = vector.shape_cast %swap3A_349 : vector<16xi32> to vector<16xi32>
        %swap3A_351 = vector.shape_cast %shift_right_logical3A_347 : vector<16xi32> to vector<16xi32>
        tpu.vector_store %arg10[%swap3A_348], %swap3A_351 {strides = array<i32>} : memref<128xi32, #tpu.memory_space<vmem>>, vector<16xi32>,
        %mul3A_352 = arith.constant 1 : i32
        %mul3A_353 = arith.muli %add3A_241, %mul3A_352 : i32
        %add3A_354 = arith.constant 0 : i32
        %add3A_355 = arith.addi %mul3A_353, %add3A_354 : i32
        %get3A_356 = arith.index_cast %add3A_355 : i32 to index
        %get3A_357 = arith.constant 80 : index
        %get3A_358 = tpu.vector_load %arg6[%get3A_356, %get3A_357] {strides = array<i32>} : memref<80x128xi32, #tpu.memory_space<vmem>>, vector<1x16xi32>,
        %get3A_359 = vector.shape_cast %get3A_358 : vector<1x16xi32> to vector<16xi32>
        %and3A_360 = arith.constant 65535 : i32
        %and3A_361 = vector.broadcast %and3A_360 : i32 to vector<16xi32>
        %and3A_362 = arith.andi %get3A_359, %and3A_361 : vector<16xi32>
        %swap3A_363 = arith.constant 80 : index
        %swap3A_364 = tpu.vector_load %arg8[%swap3A_363] {strides = array<i32>} : memref<128xi32, #tpu.memory_space<vmem>>, vector<16xi32>,
        %swap3A_365 = vector.shape_cast %swap3A_364 : vector<16xi32> to vector<16xi32>
        %swap3A_366 = vector.shape_cast %and3A_362 : vector<16xi32> to vector<16xi32>
        tpu.vector_store %arg8[%swap3A_363], %swap3A_366 {strides = array<i32>} : memref<128xi32, #tpu.memory_space<vmem>>, vector<16xi32>,
        %shift_right_logical3A_367 = arith.constant 16 : i32
        %shift_right_logical3A_368 = vector.broadcast %shift_right_logical3A_367 : i32 to vector<16xi32>
        %shift_right_logical3A_369 = arith.shrui %get3A_359, %shift_right_logical3A_368 : vector<16xi32>
        %swap3A_370 = arith.constant 80 : index
        %swap3A_371 = tpu.vector_load %arg10[%swap3A_370] {strides = array<i32>} : memref<128xi32, #tpu.memory_space<vmem>>, vector<16xi32>,
        %swap3A_372 = vector.shape_cast %swap3A_371 : vector<16xi32> to vector<16xi32>
        %swap3A_373 = vector.shape_cast %shift_right_logical3A_369 : vector<16xi32> to vector<16xi32>
        tpu.vector_store %arg10[%swap3A_370], %swap3A_373 {strides = array<i32>} : memref<128xi32, #tpu.memory_space<vmem>>, vector<16xi32>,
        %mul3A_374 = arith.constant 1 : i32
        %mul3A_375 = arith.muli %add3A_241, %mul3A_374 : i32
        %add3A_376 = arith.constant 0 : i32
        %add3A_377 = arith.addi %mul3A_375, %add3A_376 : i32
        %get3A_378 = arith.index_cast %add3A_377 : i32 to index
        %get3A_379 = arith.constant 96 : index
        %get3A_380 = tpu.vector_load %arg6[%get3A_378, %get3A_379] {strides = array<i32>} : memref<80x128xi32, #tpu.memory_space<vmem>>, vector<1x16xi32>,
        %get3A_381 = vector.shape_cast %get3A_380 : vector<1x16xi32> to vector<16xi32>
        %and3A_382 = arith.constant 65535 : i32
        %and3A_383 = vector.broadcast %and3A_382 : i32 to vector<16xi32>
        %and3A_384 = arith.andi %get3A_381, %and3A_383 : vector<16xi32>
        %swap3A_385 = arith.constant 96 : index
        %swap3A_386 = tpu.vector_load %arg8[%swap3A_385] {strides = array<i32>} : memref<128xi32, #tpu.memory_space<vmem>>, vector<16xi32>,
        %swap3A_387 = vector.shape_cast %swap3A_386 : vector<16xi32> to vector<16xi32>
        %swap3A_388 = vector.shape_cast %and3A_384 : vector<16xi32> to vector<16xi32>
        tpu.vector_store %arg8[%swap3A_385], %swap3A_388 {strides = array<i32>} : memref<128xi32, #tpu.memory_space<vmem>>, vector<16xi32>,
        %shift_right_logical3A_389 = arith.constant 16 : i32
        %shift_right_logical3A_390 = vector.broadcast %shift_right_logical3A_389 : i32 to vector<16xi32>
        %shift_right_logical3A_391 = arith.shrui %get3A_381, %shift_right_logical3A_390 : vector<16xi32>
        %swap3A_392 = arith.constant 96 : index
        %swap3A_393 = tpu.vector_load %arg10[%swap3A_392] {strides = array<i32>} : memref<128xi32, #tpu.memory_space<vmem>>, vector<16xi32>,
        %swap3A_394 = vector.shape_cast %swap3A_393 : vector<16xi32> to vector<16xi32>
        %swap3A_395 = vector.shape_cast %shift_right_logical3A_391 : vector<16xi32> to vector<16xi32>
        tpu.vector_store %arg10[%swap3A_392], %swap3A_395 {strides = array<i32>} : memref<128xi32, #tpu.memory_space<vmem>>, vector<16xi32>,
        %mul3A_396 = arith.constant 1 : i32
        %mul3A_397 = arith.muli %add3A_241, %mul3A_396 : i32
        %add3A_398 = arith.constant 0 : i32
        %add3A_399 = arith.addi %mul3A_397, %add3A_398 : i32
        %get3A_400 = arith.index_cast %add3A_399 : i32 to index
        %get3A_401 = arith.constant 112 : index
        %get3A_402 = tpu.vector_load %arg6[%get3A_400, %get3A_401] {strides = array<i32>} : memref<80x128xi32, #tpu.memory_space<vmem>>, vector<1x16xi32>,
        %get3A_403 = vector.shape_cast %get3A_402 : vector<1x16xi32> to vector<16xi32>
        %and3A_404 = arith.constant 65535 : i32
        %and3A_405 = vector.broadcast %and3A_404 : i32 to vector<16xi32>
        %and3A_406 = arith.andi %get3A_403, %and3A_405 : vector<16xi32>
        %swap3A_407 = arith.constant 112 : index
        %swap3A_408 = tpu.vector_load %arg8[%swap3A_407] {strides = array<i32>} : memref<128xi32, #tpu.memory_space<vmem>>, vector<16xi32>,
        %swap3A_409 = vector.shape_cast %swap3A_408 : vector<16xi32> to vector<16xi32>
        %swap3A_410 = vector.shape_cast %and3A_406 : vector<16xi32> to vector<16xi32>
        tpu.vector_store %arg8[%swap3A_407], %swap3A_410 {strides = array<i32>} : memref<128xi32, #tpu.memory_space<vmem>>, vector<16xi32>,
        %shift_right_logical3A_411 = arith.constant 16 : i32
        %shift_right_logical3A_412 = vector.broadcast %shift_right_logical3A_411 : i32 to vector<16xi32>
        %shift_right_logical3A_413 = arith.shrui %get3A_403, %shift_right_logical3A_412 : vector<16xi32>
        %swap3A_414 = arith.constant 112 : index
        %swap3A_415 = tpu.vector_load %arg10[%swap3A_414] {strides = array<i32>} : memref<128xi32, #tpu.memory_space<vmem>>, vector<16xi32>,
        %swap3A_416 = vector.shape_cast %swap3A_415 : vector<16xi32> to vector<16xi32>
        %swap3A_417 = vector.shape_cast %shift_right_logical3A_413 : vector<16xi32> to vector<16xi32>
        tpu.vector_store %arg10[%swap3A_414], %swap3A_417 {strides = array<i32>} : memref<128xi32, #tpu.memory_space<vmem>>, vector<16xi32>,
        %dma_start3A_418 = arith.constant 0 : i32
        %dma_start3A_419 = arith.constant 0 : i32
        %dma_start3A_420 = tpu.memref_slice %arg2[%dma_start3A_418, %dma_start3A_419] : memref<10000x128xf32, #tpu.memory_space<hbm>> -> memref<10000x128xf32, #tpu.memory_space<hbm>>
        tpu.enqueue_indirect_dma source(%dma_start3A_420 : memref<10000x128xf32, #tpu.memory_space<hbm>>) target(%arg12 : memref<128x128xf32, #tpu.memory_space<vmem>>) offsets(%arg8 : memref<128xi32, #tpu.memory_space<vmem>>) semaphore(%arg14 : memref<!tpu.dma_semaphore, #tpu.memory_space<semaphore_mem>>)
      } else {
      }
      %dma_wait3A_212 = arith.constant 0 : i32
      %dma_wait3A_213 = arith.constant 0 : i32
      %dma_wait3A_214 = tpu.memref_slice %arg2[%dma_wait3A_212, %dma_wait3A_213] : memref<10000x128xf32, #tpu.memory_space<hbm>> -> memref<10000x128xf32, #tpu.memory_space<hbm>>
      tpu.wait_indirect_dma semaphore(%arg14 : memref<!tpu.dma_semaphore, #tpu.memory_space<semaphore_mem>>) src(%dma_wait3A_214 : memref<10000x128xf32, #tpu.memory_space<hbm>>) dst(%arg11 : memref<128x128xf32, #tpu.memory_space<vmem>>)
      %dma_start3A_215 = arith.constant 0 : i32
      %dma_start3A_216 = arith.constant 0 : i32
      %dma_start3A_217 = tpu.memref_slice %arg13[%dma_start3A_215, %dma_start3A_216] : memref<10112x128xf32, #tpu.memory_space<vmem_shared>> -> memref<10112x128xf32, #tpu.memory_space<vmem_shared>>
      tpu.enqueue_indirect_dma source(%arg11 : memref<128x128xf32, #tpu.memory_space<vmem>>) target(%dma_start3A_217 : memref<10112x128xf32, #tpu.memory_space<vmem_shared>>) offsets(%arg9 : memref<128xi32, #tpu.memory_space<vmem>>) semaphore(%arg15 : memref<!tpu.dma_semaphore, #tpu.memory_space<semaphore_mem>>) {add = true}
      %mul3A_218 = arith.constant 2 : i32
      %mul3A_219 = arith.muli %scan3A_199, %mul3A_218 : i32
      %add3A_220 = arith.constant 1 : i32
      %add3A_221 = arith.addi %mul3A_219, %add3A_220 : i32
      %ge3A_222 = arith.constant 1 : i32
      %ge3A_223 = arith.cmpi sge, %add3A_221, %ge3A_222 : i32
      %convert_element_type3A_224 = arith.extui %ge3A_223 : i1 to i32
      %cond3A_225 = arith.constant 0 : i32
      %cond3A_226 = arith.cmpi ne, %convert_element_type3A_224, %cond3A_225 : i32
      scf.if %cond3A_226 {
        %dma_wait3A_240 = arith.constant 0 : i32
        %dma_wait3A_241 = arith.constant 0 : i32
        %dma_wait3A_242 = tpu.memref_slice %arg13[%dma_wait3A_240, %dma_wait3A_241] : memref<10112x128xf32, #tpu.memory_space<vmem_shared>> -> memref<10112x128xf32, #tpu.memory_space<vmem_shared>>
        tpu.wait_indirect_dma semaphore(%arg15 : memref<!tpu.dma_semaphore, #tpu.memory_space<semaphore_mem>>) src(%arg11 : memref<128x128xf32, #tpu.memory_space<vmem>>) dst(%dma_wait3A_242 : memref<10112x128xf32, #tpu.memory_space<vmem_shared>>)
      } else {
      }
      %add3A_227 = arith.constant 1 : i32
      %add3A_228 = arith.addi %add3A_221, %add3A_227 : i32
      %lt3A_229 = arith.constant 80 : i32
      %lt3A_230 = arith.cmpi slt, %add3A_228, %lt3A_229 : i32
      %convert_element_type3A_231 = arith.extui %lt3A_230 : i1 to i32
      %cond3A_232 = arith.constant 0 : i32
      %cond3A_233 = arith.cmpi ne, %convert_element_type3A_231, %cond3A_232 : i32
      scf.if %cond3A_233 {
        %add3A_240 = arith.constant 1 : i32
        %add3A_241 = arith.addi %add3A_221, %add3A_240 : i32
        %mul3A_242 = arith.constant 1 : i32
        %mul3A_243 = arith.muli %add3A_241, %mul3A_242 : i32
        %add3A_244 = arith.constant 0 : i32
        %add3A_245 = arith.addi %mul3A_243, %add3A_244 : i32
        %get3A_246 = arith.index_cast %add3A_245 : i32 to index
        %get3A_247 = arith.constant 0 : index
        %get3A_248 = tpu.vector_load %arg6[%get3A_246, %get3A_247] {strides = array<i32>} : memref<80x128xi32, #tpu.memory_space<vmem>>, vector<1x16xi32>,
        %get3A_249 = vector.shape_cast %get3A_248 : vector<1x16xi32> to vector<16xi32>
        %and3A_250 = arith.constant 65535 : i32
        %and3A_251 = vector.broadcast %and3A_250 : i32 to vector<16xi32>
        %and3A_252 = arith.andi %get3A_249, %and3A_251 : vector<16xi32>
        %swap3A_253 = arith.constant 0 : index
        %swap3A_254 = tpu.vector_load %arg7[%swap3A_253] {strides = array<i32>} : memref<128xi32, #tpu.memory_space<vmem>>, vector<16xi32>,
        %swap3A_255 = vector.shape_cast %swap3A_254 : vector<16xi32> to vector<16xi32>
        %swap3A_256 = vector.shape_cast %and3A_252 : vector<16xi32> to vector<16xi32>
        tpu.vector_store %arg7[%swap3A_253], %swap3A_256 {strides = array<i32>} : memref<128xi32, #tpu.memory_space<vmem>>, vector<16xi32>,
        %shift_right_logical3A_257 = arith.constant 16 : i32
        %shift_right_logical3A_258 = vector.broadcast %shift_right_logical3A_257 : i32 to vector<16xi32>
        %shift_right_logical3A_259 = arith.shrui %get3A_249, %shift_right_logical3A_258 : vector<16xi32>
        %swap3A_260 = arith.constant 0 : index
        %swap3A_261 = tpu.vector_load %arg9[%swap3A_260] {strides = array<i32>} : memref<128xi32, #tpu.memory_space<vmem>>, vector<16xi32>,
        %swap3A_262 = vector.shape_cast %swap3A_261 : vector<16xi32> to vector<16xi32>
        %swap3A_263 = vector.shape_cast %shift_right_logical3A_259 : vector<16xi32> to vector<16xi32>
        tpu.vector_store %arg9[%swap3A_260], %swap3A_263 {strides = array<i32>} : memref<128xi32, #tpu.memory_space<vmem>>, vector<16xi32>,
        %mul3A_264 = arith.constant 1 : i32
        %mul3A_265 = arith.muli %add3A_241, %mul3A_264 : i32
        %add3A_266 = arith.constant 0 : i32
        %add3A_267 = arith.addi %mul3A_265, %add3A_266 : i32
        %get3A_268 = arith.index_cast %add3A_267 : i32 to index
        %get3A_269 = arith.constant 16 : index
        %get3A_270 = tpu.vector_load %arg6[%get3A_268, %get3A_269] {strides = array<i32>} : memref<80x128xi32, #tpu.memory_space<vmem>>, vector<1x16xi32>,
        %get3A_271 = vector.shape_cast %get3A_270 : vector<1x16xi32> to vector<16xi32>
        %and3A_272 = arith.constant 65535 : i32
        %and3A_273 = vector.broadcast %and3A_272 : i32 to vector<16xi32>
        %and3A_274 = arith.andi %get3A_271, %and3A_273 : vector<16xi32>
        %swap3A_275 = arith.constant 16 : index
        %swap3A_276 = tpu.vector_load %arg7[%swap3A_275] {strides = array<i32>} : memref<128xi32, #tpu.memory_space<vmem>>, vector<16xi32>,
        %swap3A_277 = vector.shape_cast %swap3A_276 : vector<16xi32> to vector<16xi32>
        %swap3A_278 = vector.shape_cast %and3A_274 : vector<16xi32> to vector<16xi32>
        tpu.vector_store %arg7[%swap3A_275], %swap3A_278 {strides = array<i32>} : memref<128xi32, #tpu.memory_space<vmem>>, vector<16xi32>,
        %shift_right_logical3A_279 = arith.constant 16 : i32
        %shift_right_logical3A_280 = vector.broadcast %shift_right_logical3A_279 : i32 to vector<16xi32>
        %shift_right_logical3A_281 = arith.shrui %get3A_271, %shift_right_logical3A_280 : vector<16xi32>
        %swap3A_282 = arith.constant 16 : index
        %swap3A_283 = tpu.vector_load %arg9[%swap3A_282] {strides = array<i32>} : memref<128xi32, #tpu.memory_space<vmem>>, vector<16xi32>,
        %swap3A_284 = vector.shape_cast %swap3A_283 : vector<16xi32> to vector<16xi32>
        %swap3A_285 = vector.shape_cast %shift_right_logical3A_281 : vector<16xi32> to vector<16xi32>
        tpu.vector_store %arg9[%swap3A_282], %swap3A_285 {strides = array<i32>} : memref<128xi32, #tpu.memory_space<vmem>>, vector<16xi32>,
        %mul3A_286 = arith.constant 1 : i32
        %mul3A_287 = arith.muli %add3A_241, %mul3A_286 : i32
        %add3A_288 = arith.constant 0 : i32
        %add3A_289 = arith.addi %mul3A_287, %add3A_288 : i32
        %get3A_290 = arith.index_cast %add3A_289 : i32 to index
        %get3A_291 = arith.constant 32 : index
        %get3A_292 = tpu.vector_load %arg6[%get3A_290, %get3A_291] {strides = array<i32>} : memref<80x128xi32, #tpu.memory_space<vmem>>, vector<1x16xi32>,
        %get3A_293 = vector.shape_cast %get3A_292 : vector<1x16xi32> to vector<16xi32>
        %and3A_294 = arith.constant 65535 : i32
        %and3A_295 = vector.broadcast %and3A_294 : i32 to vector<16xi32>
        %and3A_296 = arith.andi %get3A_293, %and3A_295 : vector<16xi32>
        %swap3A_297 = arith.constant 32 : index
        %swap3A_298 = tpu.vector_load %arg7[%swap3A_297] {strides = array<i32>} : memref<128xi32, #tpu.memory_space<vmem>>, vector<16xi32>,
        %swap3A_299 = vector.shape_cast %swap3A_298 : vector<16xi32> to vector<16xi32>
        %swap3A_300 = vector.shape_cast %and3A_296 : vector<16xi32> to vector<16xi32>
        tpu.vector_store %arg7[%swap3A_297], %swap3A_300 {strides = array<i32>} : memref<128xi32, #tpu.memory_space<vmem>>, vector<16xi32>,
        %shift_right_logical3A_301 = arith.constant 16 : i32
        %shift_right_logical3A_302 = vector.broadcast %shift_right_logical3A_301 : i32 to vector<16xi32>
        %shift_right_logical3A_303 = arith.shrui %get3A_293, %shift_right_logical3A_302 : vector<16xi32>
        %swap3A_304 = arith.constant 32 : index
        %swap3A_305 = tpu.vector_load %arg9[%swap3A_304] {strides = array<i32>} : memref<128xi32, #tpu.memory_space<vmem>>, vector<16xi32>,
        %swap3A_306 = vector.shape_cast %swap3A_305 : vector<16xi32> to vector<16xi32>
        %swap3A_307 = vector.shape_cast %shift_right_logical3A_303 : vector<16xi32> to vector<16xi32>
        tpu.vector_store %arg9[%swap3A_304], %swap3A_307 {strides = array<i32>} : memref<128xi32, #tpu.memory_space<vmem>>, vector<16xi32>,
        %mul3A_308 = arith.constant 1 : i32
        %mul3A_309 = arith.muli %add3A_241, %mul3A_308 : i32
        %add3A_310 = arith.constant 0 : i32
        %add3A_311 = arith.addi %mul3A_309, %add3A_310 : i32
        %get3A_312 = arith.index_cast %add3A_311 : i32 to index
        %get3A_313 = arith.constant 48 : index
        %get3A_314 = tpu.vector_load %arg6[%get3A_312, %get3A_313] {strides = array<i32>} : memref<80x128xi32, #tpu.memory_space<vmem>>, vector<1x16xi32>,
        %get3A_315 = vector.shape_cast %get3A_314 : vector<1x16xi32> to vector<16xi32>
        %and3A_316 = arith.constant 65535 : i32
        %and3A_317 = vector.broadcast %and3A_316 : i32 to vector<16xi32>
        %and3A_318 = arith.andi %get3A_315, %and3A_317 : vector<16xi32>
        %swap3A_319 = arith.constant 48 : index
        %swap3A_320 = tpu.vector_load %arg7[%swap3A_319] {strides = array<i32>} : memref<128xi32, #tpu.memory_space<vmem>>, vector<16xi32>,
        %swap3A_321 = vector.shape_cast %swap3A_320 : vector<16xi32> to vector<16xi32>
        %swap3A_322 = vector.shape_cast %and3A_318 : vector<16xi32> to vector<16xi32>
        tpu.vector_store %arg7[%swap3A_319], %swap3A_322 {strides = array<i32>} : memref<128xi32, #tpu.memory_space<vmem>>, vector<16xi32>,
        %shift_right_logical3A_323 = arith.constant 16 : i32
        %shift_right_logical3A_324 = vector.broadcast %shift_right_logical3A_323 : i32 to vector<16xi32>
        %shift_right_logical3A_325 = arith.shrui %get3A_315, %shift_right_logical3A_324 : vector<16xi32>
        %swap3A_326 = arith.constant 48 : index
        %swap3A_327 = tpu.vector_load %arg9[%swap3A_326] {strides = array<i32>} : memref<128xi32, #tpu.memory_space<vmem>>, vector<16xi32>,
        %swap3A_328 = vector.shape_cast %swap3A_327 : vector<16xi32> to vector<16xi32>
        %swap3A_329 = vector.shape_cast %shift_right_logical3A_325 : vector<16xi32> to vector<16xi32>
        tpu.vector_store %arg9[%swap3A_326], %swap3A_329 {strides = array<i32>} : memref<128xi32, #tpu.memory_space<vmem>>, vector<16xi32>,
        %mul3A_330 = arith.constant 1 : i32
        %mul3A_331 = arith.muli %add3A_241, %mul3A_330 : i32
        %add3A_332 = arith.constant 0 : i32
        %add3A_333 = arith.addi %mul3A_331, %add3A_332 : i32
        %get3A_334 = arith.index_cast %add3A_333 : i32 to index
        %get3A_335 = arith.constant 64 : index
        %get3A_336 = tpu.vector_load %arg6[%get3A_334, %get3A_335] {strides = array<i32>} : memref<80x128xi32, #tpu.memory_space<vmem>>, vector<1x16xi32>,
        %get3A_337 = vector.shape_cast %get3A_336 : vector<1x16xi32> to vector<16xi32>
        %and3A_338 = arith.constant 65535 : i32
        %and3A_339 = vector.broadcast %and3A_338 : i32 to vector<16xi32>
        %and3A_340 = arith.andi %get3A_337, %and3A_339 : vector<16xi32>
        %swap3A_341 = arith.constant 64 : index
        %swap3A_342 = tpu.vector_load %arg7[%swap3A_341] {strides = array<i32>} : memref<128xi32, #tpu.memory_space<vmem>>, vector<16xi32>,
        %swap3A_343 = vector.shape_cast %swap3A_342 : vector<16xi32> to vector<16xi32>
        %swap3A_344 = vector.shape_cast %and3A_340 : vector<16xi32> to vector<16xi32>
        tpu.vector_store %arg7[%swap3A_341], %swap3A_344 {strides = array<i32>} : memref<128xi32, #tpu.memory_space<vmem>>, vector<16xi32>,
        %shift_right_logical3A_345 = arith.constant 16 : i32
        %shift_right_logical3A_346 = vector.broadcast %shift_right_logical3A_345 : i32 to vector<16xi32>
        %shift_right_logical3A_347 = arith.shrui %get3A_337, %shift_right_logical3A_346 : vector<16xi32>
        %swap3A_348 = arith.constant 64 : index
        %swap3A_349 = tpu.vector_load %arg9[%swap3A_348] {strides = array<i32>} : memref<128xi32, #tpu.memory_space<vmem>>, vector<16xi32>,
        %swap3A_350 = vector.shape_cast %swap3A_349 : vector<16xi32> to vector<16xi32>
        %swap3A_351 = vector.shape_cast %shift_right_logical3A_347 : vector<16xi32> to vector<16xi32>
        tpu.vector_store %arg9[%swap3A_348], %swap3A_351 {strides = array<i32>} : memref<128xi32, #tpu.memory_space<vmem>>, vector<16xi32>,
        %mul3A_352 = arith.constant 1 : i32
        %mul3A_353 = arith.muli %add3A_241, %mul3A_352 : i32
        %add3A_354 = arith.constant 0 : i32
        %add3A_355 = arith.addi %mul3A_353, %add3A_354 : i32
        %get3A_356 = arith.index_cast %add3A_355 : i32 to index
        %get3A_357 = arith.constant 80 : index
        %get3A_358 = tpu.vector_load %arg6[%get3A_356, %get3A_357] {strides = array<i32>} : memref<80x128xi32, #tpu.memory_space<vmem>>, vector<1x16xi32>,
        %get3A_359 = vector.shape_cast %get3A_358 : vector<1x16xi32> to vector<16xi32>
        %and3A_360 = arith.constant 65535 : i32
        %and3A_361 = vector.broadcast %and3A_360 : i32 to vector<16xi32>
        %and3A_362 = arith.andi %get3A_359, %and3A_361 : vector<16xi32>
        %swap3A_363 = arith.constant 80 : index
        %swap3A_364 = tpu.vector_load %arg7[%swap3A_363] {strides = array<i32>} : memref<128xi32, #tpu.memory_space<vmem>>, vector<16xi32>,
        %swap3A_365 = vector.shape_cast %swap3A_364 : vector<16xi32> to vector<16xi32>
        %swap3A_366 = vector.shape_cast %and3A_362 : vector<16xi32> to vector<16xi32>
        tpu.vector_store %arg7[%swap3A_363], %swap3A_366 {strides = array<i32>} : memref<128xi32, #tpu.memory_space<vmem>>, vector<16xi32>,
        %shift_right_logical3A_367 = arith.constant 16 : i32
        %shift_right_logical3A_368 = vector.broadcast %shift_right_logical3A_367 : i32 to vector<16xi32>
        %shift_right_logical3A_369 = arith.shrui %get3A_359, %shift_right_logical3A_368 : vector<16xi32>
        %swap3A_370 = arith.constant 80 : index
        %swap3A_371 = tpu.vector_load %arg9[%swap3A_370] {strides = array<i32>} : memref<128xi32, #tpu.memory_space<vmem>>, vector<16xi32>,
        %swap3A_372 = vector.shape_cast %swap3A_371 : vector<16xi32> to vector<16xi32>
        %swap3A_373 = vector.shape_cast %shift_right_logical3A_369 : vector<16xi32> to vector<16xi32>
        tpu.vector_store %arg9[%swap3A_370], %swap3A_373 {strides = array<i32>} : memref<128xi32, #tpu.memory_space<vmem>>, vector<16xi32>,
        %mul3A_374 = arith.constant 1 : i32
        %mul3A_375 = arith.muli %add3A_241, %mul3A_374 : i32
        %add3A_376 = arith.constant 0 : i32
        %add3A_377 = arith.addi %mul3A_375, %add3A_376 : i32
        %get3A_378 = arith.index_cast %add3A_377 : i32 to index
        %get3A_379 = arith.constant 96 : index
        %get3A_380 = tpu.vector_load %arg6[%get3A_378, %get3A_379] {strides = array<i32>} : memref<80x128xi32, #tpu.memory_space<vmem>>, vector<1x16xi32>,
        %get3A_381 = vector.shape_cast %get3A_380 : vector<1x16xi32> to vector<16xi32>
        %and3A_382 = arith.constant 65535 : i32
        %and3A_383 = vector.broadcast %and3A_382 : i32 to vector<16xi32>
        %and3A_384 = arith.andi %get3A_381, %and3A_383 : vector<16xi32>
        %swap3A_385 = arith.constant 96 : index
        %swap3A_386 = tpu.vector_load %arg7[%swap3A_385] {strides = array<i32>} : memref<128xi32, #tpu.memory_space<vmem>>, vector<16xi32>,
        %swap3A_387 = vector.shape_cast %swap3A_386 : vector<16xi32> to vector<16xi32>
        %swap3A_388 = vector.shape_cast %and3A_384 : vector<16xi32> to vector<16xi32>
        tpu.vector_store %arg7[%swap3A_385], %swap3A_388 {strides = array<i32>} : memref<128xi32, #tpu.memory_space<vmem>>, vector<16xi32>,
        %shift_right_logical3A_389 = arith.constant 16 : i32
        %shift_right_logical3A_390 = vector.broadcast %shift_right_logical3A_389 : i32 to vector<16xi32>
        %shift_right_logical3A_391 = arith.shrui %get3A_381, %shift_right_logical3A_390 : vector<16xi32>
        %swap3A_392 = arith.constant 96 : index
        %swap3A_393 = tpu.vector_load %arg9[%swap3A_392] {strides = array<i32>} : memref<128xi32, #tpu.memory_space<vmem>>, vector<16xi32>,
        %swap3A_394 = vector.shape_cast %swap3A_393 : vector<16xi32> to vector<16xi32>
        %swap3A_395 = vector.shape_cast %shift_right_logical3A_391 : vector<16xi32> to vector<16xi32>
        tpu.vector_store %arg9[%swap3A_392], %swap3A_395 {strides = array<i32>} : memref<128xi32, #tpu.memory_space<vmem>>, vector<16xi32>,
        %mul3A_396 = arith.constant 1 : i32
        %mul3A_397 = arith.muli %add3A_241, %mul3A_396 : i32
        %add3A_398 = arith.constant 0 : i32
        %add3A_399 = arith.addi %mul3A_397, %add3A_398 : i32
        %get3A_400 = arith.index_cast %add3A_399 : i32 to index
        %get3A_401 = arith.constant 112 : index
        %get3A_402 = tpu.vector_load %arg6[%get3A_400, %get3A_401] {strides = array<i32>} : memref<80x128xi32, #tpu.memory_space<vmem>>, vector<1x16xi32>,
        %get3A_403 = vector.shape_cast %get3A_402 : vector<1x16xi32> to vector<16xi32>
        %and3A_404 = arith.constant 65535 : i32
        %and3A_405 = vector.broadcast %and3A_404 : i32 to vector<16xi32>
        %and3A_406 = arith.andi %get3A_403, %and3A_405 : vector<16xi32>
        %swap3A_407 = arith.constant 112 : index
        %swap3A_408 = tpu.vector_load %arg7[%swap3A_407] {strides = array<i32>} : memref<128xi32, #tpu.memory_space<vmem>>, vector<16xi32>,
        %swap3A_409 = vector.shape_cast %swap3A_408 : vector<16xi32> to vector<16xi32>
        %swap3A_410 = vector.shape_cast %and3A_406 : vector<16xi32> to vector<16xi32>
        tpu.vector_store %arg7[%swap3A_407], %swap3A_410 {strides = array<i32>} : memref<128xi32, #tpu.memory_space<vmem>>, vector<16xi32>,
        %shift_right_logical3A_411 = arith.constant 16 : i32
        %shift_right_logical3A_412 = vector.broadcast %shift_right_logical3A_411 : i32 to vector<16xi32>
        %shift_right_logical3A_413 = arith.shrui %get3A_403, %shift_right_logical3A_412 : vector<16xi32>
        %swap3A_414 = arith.constant 112 : index
        %swap3A_415 = tpu.vector_load %arg9[%swap3A_414] {strides = array<i32>} : memref<128xi32, #tpu.memory_space<vmem>>, vector<16xi32>,
        %swap3A_416 = vector.shape_cast %swap3A_415 : vector<16xi32> to vector<16xi32>
        %swap3A_417 = vector.shape_cast %shift_right_logical3A_413 : vector<16xi32> to vector<16xi32>
        tpu.vector_store %arg9[%swap3A_414], %swap3A_417 {strides = array<i32>} : memref<128xi32, #tpu.memory_space<vmem>>, vector<16xi32>,
        %dma_start3A_418 = arith.constant 0 : i32
        %dma_start3A_419 = arith.constant 0 : i32
        %dma_start3A_420 = tpu.memref_slice %arg2[%dma_start3A_418, %dma_start3A_419] : memref<10000x128xf32, #tpu.memory_space<hbm>> -> memref<10000x128xf32, #tpu.memory_space<hbm>>
        tpu.enqueue_indirect_dma source(%dma_start3A_420 : memref<10000x128xf32, #tpu.memory_space<hbm>>) target(%arg11 : memref<128x128xf32, #tpu.memory_space<vmem>>) offsets(%arg7 : memref<128xi32, #tpu.memory_space<vmem>>) semaphore(%arg14 : memref<!tpu.dma_semaphore, #tpu.memory_space<semaphore_mem>>)
      } else {
      }
      %dma_wait3A_234 = arith.constant 0 : i32
      %dma_wait3A_235 = arith.constant 0 : i32
      %dma_wait3A_236 = tpu.memref_slice %arg2[%dma_wait3A_234, %dma_wait3A_235] : memref<10000x128xf32, #tpu.memory_space<hbm>> -> memref<10000x128xf32, #tpu.memory_space<hbm>>
      tpu.wait_indirect_dma semaphore(%arg14 : memref<!tpu.dma_semaphore, #tpu.memory_space<semaphore_mem>>) src(%dma_wait3A_236 : memref<10000x128xf32, #tpu.memory_space<hbm>>) dst(%arg12 : memref<128x128xf32, #tpu.memory_space<vmem>>)
      %dma_start3A_237 = arith.constant 0 : i32
      %dma_start3A_238 = arith.constant 0 : i32
      %dma_start3A_239 = tpu.memref_slice %arg13[%dma_start3A_237, %dma_start3A_238] : memref<10112x128xf32, #tpu.memory_space<vmem_shared>> -> memref<10112x128xf32, #tpu.memory_space<vmem_shared>>
      tpu.enqueue_indirect_dma source(%arg12 : memref<128x128xf32, #tpu.memory_space<vmem>>) target(%dma_start3A_239 : memref<10112x128xf32, #tpu.memory_space<vmem_shared>>) offsets(%arg10 : memref<128xi32, #tpu.memory_space<vmem>>) semaphore(%arg15 : memref<!tpu.dma_semaphore, #tpu.memory_space<semaphore_mem>>) {add = true}
    }
    %scan3A_191 = arith.constant 40 : i32
    %dma_wait3A = arith.constant 0 : i32
    %dma_wait3A_192 = arith.constant 0 : i32
    %dma_wait3A_193 = tpu.memref_slice %arg13[%dma_wait3A, %dma_wait3A_192] : memref<10112x128xf32, #tpu.memory_space<vmem_shared>> -> memref<10112x128xf32, #tpu.memory_space<vmem_shared>>
    tpu.wait_indirect_dma semaphore(%arg15 : memref<!tpu.dma_semaphore, #tpu.memory_space<semaphore_mem>>) src(%arg12 : memref<128x128xf32, #tpu.memory_space<vmem>>) dst(%dma_wait3A_193 : memref<10112x128xf32, #tpu.memory_space<vmem_shared>>)
    %barrier3A_194 = arith.constant 0 : index
    tpu.barrier barrier_id(%barrier3A_194)
    %mul3A_195 = arith.constant 632 : i32
    %mul3A_196 = arith.muli %arg1, %mul3A_195 : i32
    %mul3A_197 = arith.constant 632 : i32
    %mul3A_198 = arith.muli %arg1, %mul3A_197 : i32
    "tpu.region"() ({
      %run_scoped3A = tpu.sem_alloc : memref<!tpu.dma_semaphore, #tpu.memory_space<semaphore_mem>>
      %dma_start3A_199 = arith.constant 0 : i32
      %dma_start3A_200 = tpu.memref_slice %arg5[%arg0, %mul3A_198, %dma_start3A_199] : memref<2x10112x128xf32, #tpu.memory_space<hbm>> -> memref<1x632x128xf32, #tpu.memory_space<hbm>>
      %dma_start3A_201 = tpu.memref_squeeze %dma_start3A_200 : memref<1x632x128xf32, #tpu.memory_space<hbm>> -> memref<632x128xf32, #tpu.memory_space<hbm>>
      %dma_start3A_202 = arith.constant 0 : i32
      %dma_start3A_203 = tpu.memref_slice %arg13[%mul3A_196, %dma_start3A_202] : memref<10112x128xf32, #tpu.memory_space<vmem_shared>> -> memref<632x128xf32, #tpu.memory_space<vmem_shared>>
      tpu.enqueue_dma source(%dma_start3A_203 : memref<632x128xf32, #tpu.memory_space<vmem_shared>>) target(%dma_start3A_201 : memref<632x128xf32, #tpu.memory_space<hbm>>) target_semaphore(%run_scoped3A : memref<!tpu.dma_semaphore, #tpu.memory_space<semaphore_mem>>)
      %dma_wait3A_204 = arith.constant 0 : i32
      %dma_wait3A_205 = tpu.memref_slice %arg5[%arg0, %mul3A_198, %dma_wait3A_204] : memref<2x10112x128xf32, #tpu.memory_space<hbm>> -> memref<1x632x128xf32, #tpu.memory_space<hbm>>
      %dma_wait3A_206 = tpu.memref_squeeze %dma_wait3A_205 : memref<1x632x128xf32, #tpu.memory_space<hbm>> -> memref<632x128xf32, #tpu.memory_space<hbm>>
      %dma_wait3A_207 = arith.constant 0 : i32
      %dma_wait3A_208 = tpu.memref_slice %arg13[%mul3A_196, %dma_wait3A_207] : memref<10112x128xf32, #tpu.memory_space<vmem_shared>> -> memref<632x128xf32, #tpu.memory_space<vmem_shared>>
      tpu.wait_dma2 semaphore(%run_scoped3A : memref<!tpu.dma_semaphore, #tpu.memory_space<semaphore_mem>>) src(%dma_wait3A_208 : memref<632x128xf32, #tpu.memory_space<vmem_shared>>) dst(%dma_wait3A_206 : memref<632x128xf32, #tpu.memory_space<hbm>>)
      tpu.yield
    }) : () -> ()
    return
  }
}

module attributes {stable_mosaic.version = 14 : i64} {
  func.func @_mlp_body(%arg0: i32, %arg1: memref<2000x128xf32, #tpu.memory_space<vmem>>, %arg2: memref<2x2000x128xf32, #tpu.memory_space<vmem>>, %arg3: memref<128x128xf32, #tpu.memory_space<vmem>>, %arg4: memref<1x128xf32, #tpu.memory_space<vmem>>, %arg5: memref<128x128xf32, #tpu.memory_space<vmem>>, %arg6: memref<1x128xf32, #tpu.memory_space<vmem>>, %arg7: memref<2000x128xf32, #tpu.memory_space<vmem>>) attributes {dimension_semantics = [#tpu.dimension_semantics<arbitrary>], iteration_bounds = array<i64: 5>, scalar_prefetch = 0 : i64, scratch_operands = 0 : i64, tpu.core_type = #tpu.core_type<tc>, window_params = [{transform_indices = @transform_0, window_bounds = array<i64: 2000, 128>}, {transform_indices = @transform_1, window_bounds = array<i64: 2, 2000, 128>}, {pipeline_mode = #tpu.pipeline_mode<synchronous>, transform_indices = @transform_2, window_bounds = array<i64: 128, 128>}, {pipeline_mode = #tpu.pipeline_mode<synchronous>, transform_indices = @transform_3, window_bounds = array<i64: 1, 128>}, {pipeline_mode = #tpu.pipeline_mode<synchronous>, transform_indices = @transform_4, window_bounds = array<i64: 128, 128>}, {pipeline_mode = #tpu.pipeline_mode<synchronous>, transform_indices = @transform_5, window_bounds = array<i64: 1, 128>}, {transform_indices = @transform_6, window_bounds = array<i64: 2000, 128>}]} {
    %get3A = arith.constant 0 : index
    %get3A_0 = arith.constant 0 : index
    %get3A_1 = vector.load %arg1[%get3A, %get3A_0] : memref<2000x128xf32, #tpu.memory_space<vmem>>, vector<2000x128xf32>
    %get3A_2 = arith.constant 0 : index
    %get3A_3 = arith.constant 0 : index
    %get3A_4 = arith.constant 0 : index
    %get3A_5 = vector.load %arg2[%get3A_2, %get3A_3, %get3A_4] : memref<2x2000x128xf32, #tpu.memory_space<vmem>>, vector<1x2000x128xf32>
    %get3A_6 = vector.shape_cast %get3A_5 : vector<1x2000x128xf32> to vector<2000x128xf32>
    %add3A = arith.addf %get3A_1, %get3A_6 : vector<2000x128xf32>
    %get3A_7 = arith.constant 1 : index
    %get3A_8 = arith.constant 0 : index
    %get3A_9 = arith.constant 0 : index
    %get3A_10 = vector.load %arg2[%get3A_7, %get3A_8, %get3A_9] : memref<2x2000x128xf32, #tpu.memory_space<vmem>>, vector<1x2000x128xf32>
    %get3A_11 = vector.shape_cast %get3A_10 : vector<1x2000x128xf32> to vector<2000x128xf32>
    %add3A_12 = arith.addf %add3A, %get3A_11 : vector<2000x128xf32>
    %get3A_13 = arith.constant 0 : index
    %get3A_14 = arith.constant 0 : index
    %get3A_15 = vector.load %arg3[%get3A_13, %get3A_14] : memref<128x128xf32, #tpu.memory_space<vmem>>, vector<128x128xf32>
    %dot_general3A = arith.constant dense<0.000000e+00> : vector<2000x128xf32>
    %dot_general3A_16 = tpu.matmul %add3A_12, %get3A_15, %dot_general3A {dimension_numbers = #tpu.dot_dimension_numbers<[1], [0], [0], [1], [0, 0, 1, 1], [], []>, transpose_lhs_hint = false} : vector<2000x128xf32>, vector<128x128xf32>, vector<2000x128xf32> -> vector<2000x128xf32>
    %get3A_17 = arith.constant 0 : index
    %get3A_18 = arith.constant 0 : index
    %get3A_19 = vector.load %arg4[%get3A_17, %get3A_18] : memref<1x128xf32, #tpu.memory_space<vmem>>, vector<1x128xf32>
    %add3A_20 = vector.broadcast %get3A_19 : vector<1x128xf32> to vector<2000x128xf32>
    %add3A_21 = arith.addf %dot_general3A_16, %add3A_20 : vector<2000x128xf32>
    %max3A = arith.constant 0.000000e+00 : f32
    %max3A_22 = vector.broadcast %max3A : f32 to vector<2000x128xf32>
    %max3A_23 = arith.maximumf %add3A_21, %max3A_22 : vector<2000x128xf32>
    %get3A_24 = arith.constant 0 : index
    %get3A_25 = arith.constant 0 : index
    %get3A_26 = vector.load %arg5[%get3A_24, %get3A_25] : memref<128x128xf32, #tpu.memory_space<vmem>>, vector<128x128xf32>
    %dot_general3A_27 = arith.constant dense<0.000000e+00> : vector<2000x128xf32>
    %dot_general3A_28 = tpu.matmul %max3A_23, %get3A_26, %dot_general3A_27 {dimension_numbers = #tpu.dot_dimension_numbers<[1], [0], [0], [1], [0, 0, 1, 1], [], []>, transpose_lhs_hint = false} : vector<2000x128xf32>, vector<128x128xf32>, vector<2000x128xf32> -> vector<2000x128xf32>
    %get3A_29 = arith.constant 0 : index
    %get3A_30 = arith.constant 0 : index
    %get3A_31 = vector.load %arg6[%get3A_29, %get3A_30] : memref<1x128xf32, #tpu.memory_space<vmem>>, vector<1x128xf32>
    %add3A_32 = vector.broadcast %get3A_31 : vector<1x128xf32> to vector<2000x128xf32>
    %add3A_33 = arith.addf %dot_general3A_28, %add3A_32 : vector<2000x128xf32>
    %max3A_34 = arith.constant 0.000000e+00 : f32
    %max3A_35 = vector.broadcast %max3A_34 : f32 to vector<2000x128xf32>
    %max3A_36 = arith.maximumf %add3A_33, %max3A_35 : vector<2000x128xf32>
    %swap3A = arith.constant 0 : index
    %swap3A_37 = arith.constant 0 : index
    %swap3A_38 = vector.load %arg7[%swap3A, %swap3A_37] : memref<2000x128xf32, #tpu.memory_space<vmem>>, vector<2000x128xf32>
    tpu.vector_store %arg7[%swap3A, %swap3A_37], %max3A_36 {strides = array<i32>} : memref<2000x128xf32, #tpu.memory_space<vmem>>, vector<2000x128xf32>,
    return
  }
  func.func @transform_0(%arg0: i32) -> (i32, i32) {
    %c0_i32 = arith.constant 0 : i32
    %c0_i32_0 = arith.constant 0 : i32
    return %arg0, %c0_i32 : i32, i32
  }
  func.func @transform_1(%arg0: i32) -> (i32, i32, i32) {
    %c0_i32 = arith.constant 0 : i32
    %c0_i32_0 = arith.constant 0 : i32
    %c0_i32_1 = arith.constant 0 : i32
    return %c0_i32, %arg0, %c0_i32_0 : i32, i32, i32
  }
  func.func @transform_2(%arg0: i32) -> (i32, i32) {
    %c0_i32 = arith.constant 0 : i32
    %c0_i32_0 = arith.constant 0 : i32
    %c0_i32_1 = arith.constant 0 : i32
    return %c0_i32, %c0_i32_0 : i32, i32
  }
  func.func @transform_3(%arg0: i32) -> (i32, i32) {
    %c0_i32 = arith.constant 0 : i32
    %c0_i32_0 = arith.constant 0 : i32
    %c0_i32_1 = arith.constant 0 : i32
    return %c0_i32, %c0_i32_0 : i32, i32
  }
  func.func @transform_4(%arg0: i32) -> (i32, i32) {
    %c0_i32 = arith.constant 0 : i32
    %c0_i32_0 = arith.constant 0 : i32
    %c0_i32_1 = arith.constant 0 : i32
    return %c0_i32, %c0_i32_0 : i32, i32
  }
  func.func @transform_5(%arg0: i32) -> (i32, i32) {
    %c0_i32 = arith.constant 0 : i32
    %c0_i32_0 = arith.constant 0 : i32
    %c0_i32_1 = arith.constant 0 : i32
    return %c0_i32, %c0_i32_0 : i32, i32
  }
  func.func @transform_6(%arg0: i32) -> (i32, i32) {
    %c0_i32 = arith.constant 0 : i32
    %c0_i32_0 = arith.constant 0 : i32
    return %arg0, %c0_i32 : i32, i32
  }
}

module attributes {stable_mosaic.version = 14 : i64} {
  func.func @_mlp_pool_body(%arg0: i32, %arg1: memref<1x1x2000xi32, #tpu.memory_space<vmem>>, %arg2: memref<2000x128xf32, #tpu.memory_space<vmem>>, %arg3: memref<2x2000x128xf32, #tpu.memory_space<vmem>>, %arg4: memref<128x128xf32, #tpu.memory_space<vmem>>, %arg5: memref<1x128xf32, #tpu.memory_space<vmem>>, %arg6: memref<128x128xf32, #tpu.memory_space<vmem>>, %arg7: memref<1x128xf32, #tpu.memory_space<vmem>>, %arg8: memref<2000x128xf32, #tpu.memory_space<vmem>>, %arg9: memref<64x128xf32, #tpu.memory_space<vmem>>) attributes {dimension_semantics = [#tpu.dimension_semantics<arbitrary>], iteration_bounds = array<i64: 5>, scalar_prefetch = 0 : i64, scratch_operands = 0 : i64, tpu.core_type = #tpu.core_type<tc>, window_params = [{transform_indices = @transform_0, window_bounds = array<i64: 1, 1, 2000>}, {transform_indices = @transform_1, window_bounds = array<i64: 2000, 128>}, {transform_indices = @transform_2, window_bounds = array<i64: 2, 2000, 128>}, {pipeline_mode = #tpu.pipeline_mode<synchronous>, transform_indices = @transform_3, window_bounds = array<i64: 128, 128>}, {pipeline_mode = #tpu.pipeline_mode<synchronous>, transform_indices = @transform_4, window_bounds = array<i64: 1, 128>}, {pipeline_mode = #tpu.pipeline_mode<synchronous>, transform_indices = @transform_5, window_bounds = array<i64: 128, 128>}, {pipeline_mode = #tpu.pipeline_mode<synchronous>, transform_indices = @transform_6, window_bounds = array<i64: 1, 128>}, {transform_indices = @transform_7, window_bounds = array<i64: 2000, 128>}, {pipeline_mode = #tpu.pipeline_mode<synchronous>, transform_indices = @transform_8, window_bounds = array<i64: 64, 128>}]} {
    %get3A = arith.constant 0 : index
    %get3A_0 = arith.constant 0 : index
    %get3A_1 = vector.load %arg2[%get3A, %get3A_0] : memref<2000x128xf32, #tpu.memory_space<vmem>>, vector<2000x128xf32>
    %get3A_2 = arith.constant 0 : index
    %get3A_3 = arith.constant 0 : index
    %get3A_4 = arith.constant 0 : index
    %get3A_5 = vector.load %arg3[%get3A_2, %get3A_3, %get3A_4] : memref<2x2000x128xf32, #tpu.memory_space<vmem>>, vector<1x2000x128xf32>
    %get3A_6 = vector.shape_cast %get3A_5 : vector<1x2000x128xf32> to vector<2000x128xf32>
    %add3A = arith.addf %get3A_1, %get3A_6 : vector<2000x128xf32>
    %get3A_7 = arith.constant 1 : index
    %get3A_8 = arith.constant 0 : index
    %get3A_9 = arith.constant 0 : index
    %get3A_10 = vector.load %arg3[%get3A_7, %get3A_8, %get3A_9] : memref<2x2000x128xf32, #tpu.memory_space<vmem>>, vector<1x2000x128xf32>
    %get3A_11 = vector.shape_cast %get3A_10 : vector<1x2000x128xf32> to vector<2000x128xf32>
    %add3A_12 = arith.addf %add3A, %get3A_11 : vector<2000x128xf32>
    %get3A_13 = arith.constant 0 : index
    %get3A_14 = arith.constant 0 : index
    %get3A_15 = vector.load %arg4[%get3A_13, %get3A_14] : memref<128x128xf32, #tpu.memory_space<vmem>>, vector<128x128xf32>
    %dot_general3A = arith.constant dense<0.000000e+00> : vector<2000x128xf32>
    %dot_general3A_16 = tpu.matmul %add3A_12, %get3A_15, %dot_general3A {dimension_numbers = #tpu.dot_dimension_numbers<[1], [0], [0], [1], [0, 0, 1, 1], [], []>, transpose_lhs_hint = false} : vector<2000x128xf32>, vector<128x128xf32>, vector<2000x128xf32> -> vector<2000x128xf32>
    %get3A_17 = arith.constant 0 : index
    %get3A_18 = arith.constant 0 : index
    %get3A_19 = vector.load %arg5[%get3A_17, %get3A_18] : memref<1x128xf32, #tpu.memory_space<vmem>>, vector<1x128xf32>
    %add3A_20 = vector.broadcast %get3A_19 : vector<1x128xf32> to vector<2000x128xf32>
    %add3A_21 = arith.addf %dot_general3A_16, %add3A_20 : vector<2000x128xf32>
    %max3A = arith.constant 0.000000e+00 : f32
    %max3A_22 = vector.broadcast %max3A : f32 to vector<2000x128xf32>
    %max3A_23 = arith.maximumf %add3A_21, %max3A_22 : vector<2000x128xf32>
    %get3A_24 = arith.constant 0 : index
    %get3A_25 = arith.constant 0 : index
    %get3A_26 = vector.load %arg6[%get3A_24, %get3A_25] : memref<128x128xf32, #tpu.memory_space<vmem>>, vector<128x128xf32>
    %dot_general3A_27 = arith.constant dense<0.000000e+00> : vector<2000x128xf32>
    %dot_general3A_28 = tpu.matmul %max3A_23, %get3A_26, %dot_general3A_27 {dimension_numbers = #tpu.dot_dimension_numbers<[1], [0], [0], [1], [0, 0, 1, 1], [], []>, transpose_lhs_hint = false} : vector<2000x128xf32>, vector<128x128xf32>, vector<2000x128xf32> -> vector<2000x128xf32>
    %get3A_29 = arith.constant 0 : index
    %get3A_30 = arith.constant 0 : index
    %get3A_31 = vector.load %arg7[%get3A_29, %get3A_30] : memref<1x128xf32, #tpu.memory_space<vmem>>, vector<1x128xf32>
    %add3A_32 = vector.broadcast %get3A_31 : vector<1x128xf32> to vector<2000x128xf32>
    %add3A_33 = arith.addf %dot_general3A_28, %add3A_32 : vector<2000x128xf32>
    %swap3A = arith.constant 0 : index
    %swap3A_34 = arith.constant 0 : index
    %swap3A_35 = vector.load %arg8[%swap3A, %swap3A_34] : memref<2000x128xf32, #tpu.memory_space<vmem>>, vector<2000x128xf32>
    tpu.vector_store %arg8[%swap3A, %swap3A_34], %add3A_33 {strides = array<i32>} : memref<2000x128xf32, #tpu.memory_space<vmem>>, vector<2000x128xf32>,
    %get3A_36 = arith.constant 0 : index
    %get3A_37 = arith.constant 0 : index
    %get3A_38 = arith.constant 0 : index
    %get3A_39 = vector.load %arg1[%get3A_36, %get3A_37, %get3A_38] : memref<1x1x2000xi32, #tpu.memory_space<vmem>>, vector<1x1x2000xi32>
    %get3A_40 = vector.shape_cast %get3A_39 : vector<1x1x2000xi32> to vector<2000xi32>
    %broadcast_in_dim3A = vector.shape_cast %get3A_40 : vector<2000xi32> to vector<2000x1xi32>
    %iota3A = tpu.iota {dimensions = array<i32: 1>} : vector<2000x64xi32>
    %eq3A = vector.broadcast %broadcast_in_dim3A : vector<2000x1xi32> to vector<2000x64xi32>
    %eq3A_41 = arith.cmpi eq, %eq3A, %iota3A : vector<2000x64xi32>
    %convert_element_type3A = arith.extui %eq3A_41 : vector<2000x64xi1> to vector<2000x64xi32>
    %convert_element_type3A_42 = arith.sitofp %convert_element_type3A : vector<2000x64xi32> to vector<2000x64xf32>
    %dot_general3A_43 = arith.constant dense<0.000000e+00> : vector<64x128xf32>
    %dot_general3A_44 = tpu.matmul %convert_element_type3A_42, %add3A_33, %dot_general3A_43 {dimension_numbers = #tpu.dot_dimension_numbers<[0], [0], [1], [1], [0, 1, 1, 1], [], []>, transpose_lhs_hint = false} : vector<2000x64xf32>, vector<2000x128xf32>, vector<64x128xf32> -> vector<64x128xf32>
    %eq3A_45 = arith.constant 0 : i32
    %eq3A_46 = arith.cmpi eq, %arg0, %eq3A_45 : i32
    %convert_element_type3A_47 = arith.extui %eq3A_46 : i1 to i32
    %cond3A = arith.constant 0 : i32
    %cond3A_48 = arith.cmpi ne, %convert_element_type3A_47, %cond3A : i32
    scf.if %cond3A_48 {
      %broadcast_in_dim3A_56 = arith.constant 0.000000e+00 : f32
      %broadcast_in_dim3A_57 = vector.broadcast %broadcast_in_dim3A_56 : f32 to vector<64x128xf32>
      %swap3A_58 = arith.constant 0 : index
      %swap3A_59 = arith.constant 0 : index
      %swap3A_60 = vector.load %arg9[%swap3A_58, %swap3A_59] : memref<64x128xf32, #tpu.memory_space<vmem>>, vector<64x128xf32>
      tpu.vector_store %arg9[%swap3A_58, %swap3A_59], %broadcast_in_dim3A_57 {strides = array<i32>} : memref<64x128xf32, #tpu.memory_space<vmem>>, vector<64x128xf32>,
    } else {
    }
    %get3A_49 = arith.constant 0 : index
    %get3A_50 = arith.constant 0 : index
    %get3A_51 = vector.load %arg9[%get3A_49, %get3A_50] : memref<64x128xf32, #tpu.memory_space<vmem>>, vector<64x128xf32>
    %add3A_52 = arith.addf %get3A_51, %dot_general3A_44 : vector<64x128xf32>
    %swap3A_53 = arith.constant 0 : index
    %swap3A_54 = arith.constant 0 : index
    %swap3A_55 = vector.load %arg9[%swap3A_53, %swap3A_54] : memref<64x128xf32, #tpu.memory_space<vmem>>, vector<64x128xf32>
    tpu.vector_store %arg9[%swap3A_53, %swap3A_54], %add3A_52 {strides = array<i32>} : memref<64x128xf32, #tpu.memory_space<vmem>>, vector<64x128xf32>,
    return
  }
  func.func @transform_0(%arg0: i32) -> (i32, i32, i32) {
    %c0_i32 = arith.constant 0 : i32
    %c0_i32_0 = arith.constant 0 : i32
    %c0_i32_1 = arith.constant 0 : i32
    return %arg0, %c0_i32, %c0_i32_0 : i32, i32, i32
  }
  func.func @transform_1(%arg0: i32) -> (i32, i32) {
    %c0_i32 = arith.constant 0 : i32
    %c0_i32_0 = arith.constant 0 : i32
    return %arg0, %c0_i32 : i32, i32
  }
  func.func @transform_2(%arg0: i32) -> (i32, i32, i32) {
    %c0_i32 = arith.constant 0 : i32
    %c0_i32_0 = arith.constant 0 : i32
    %c0_i32_1 = arith.constant 0 : i32
    return %c0_i32, %arg0, %c0_i32_0 : i32, i32, i32
  }
  func.func @transform_3(%arg0: i32) -> (i32, i32) {
    %c0_i32 = arith.constant 0 : i32
    %c0_i32_0 = arith.constant 0 : i32
    %c0_i32_1 = arith.constant 0 : i32
    return %c0_i32, %c0_i32_0 : i32, i32
  }
  func.func @transform_4(%arg0: i32) -> (i32, i32) {
    %c0_i32 = arith.constant 0 : i32
    %c0_i32_0 = arith.constant 0 : i32
    %c0_i32_1 = arith.constant 0 : i32
    return %c0_i32, %c0_i32_0 : i32, i32
  }
  func.func @transform_5(%arg0: i32) -> (i32, i32) {
    %c0_i32 = arith.constant 0 : i32
    %c0_i32_0 = arith.constant 0 : i32
    %c0_i32_1 = arith.constant 0 : i32
    return %c0_i32, %c0_i32_0 : i32, i32
  }
  func.func @transform_6(%arg0: i32) -> (i32, i32) {
    %c0_i32 = arith.constant 0 : i32
    %c0_i32_0 = arith.constant 0 : i32
    %c0_i32_1 = arith.constant 0 : i32
    return %c0_i32, %c0_i32_0 : i32, i32
  }
  func.func @transform_7(%arg0: i32) -> (i32, i32) {
    %c0_i32 = arith.constant 0 : i32
    %c0_i32_0 = arith.constant 0 : i32
    return %arg0, %c0_i32 : i32, i32
  }
  func.func @transform_8(%arg0: i32) -> (i32, i32) {
    %c0_i32 = arith.constant 0 : i32
    %c0_i32_0 = arith.constant 0 : i32
    %c0_i32_1 = arith.constant 0 : i32
    return %c0_i32, %c0_i32_0 : i32, i32
  }
}

</mosaic_0001>

<sc_bundles>
// kernel: kernel.6.cloned.1.call-start
scs
__scs_entry_jumppad:
0x0: {  	(pc) =	sbr.rel $0x88, $3  }
0x1: {  	(tag) =	ssettag $0x0;
	lr =	simm.s32 $0x1  }
0x2: {  	[smem:$0x3F96] =	sst lr;
	_ =	strace $0xD0000000  }
0x3: {  	_ = 	snop  }
0x4: {  	_ = 	snop  }
0x5: {  	_ = 	snop  }
0x6: {  	_ = 	snop  }
0x7: {  	_ = 	snop  }
__scs_overlays_trampoline_lowered:
0x8: {  	[smem:$0x3FA5] =	sst s0  }
0x9: {  	[smem:$0x3FA6] =	sst s1  }
0xa: {  	[smem:$0x3FA7] =	sst s2  }
0xb: {  	[smem:$0x3FA8] =	sst s3  }
0xc: {  	[smem:$0x3FA9] =	sst s4  }
0xd: {  	[smem:$0x3FAA] =	sst s5  }
0xe: {  	[smem:$0x3FAB] =	sst s6  }
0xf: {  	[smem:$0x3FAC] =	sst s7  }
0x10: {  	[smem:$0x3FAD] =	sst s8  }
0x11: {  	[smem:$0x3FAE] =	sst s9;
	s0 =	simm.s32 @!p0 $0x0  }
0x12: {  	s1 =	sld [smem:$0x3F94];
	s0 =	simm.s32 @p0 $0x1  }
0x13: {  	[smem:$0x3FAF] =	sst s0;
	s0 =	simm.s32 @!p1 $0x0  }
0x14: {  	s2 =	sld [smem:$0x3F93];
	s0 =	simm.s32 @p1 $0x1  }
0x15: {  	[smem:$0x3FB0] =	sst s0;
	s0 =	simm.s32 @!p2 $0x0  }
0x16: {  	s3 =	sld [smem:$0x3FDB];
	s0 =	simm.s32 @p2 $0x1  }
0x17: {  	s4 =	simm.s32 $0x1BF5;
	[smem:$0x3FB2] =	sst s0  }
0x18: {  	s0 =	sld [smem:$0x3F95];
	_ =	swait.ge [sflag:s4], $0x0  }
0x19: {  	s7 =	sld [smem:$0x3F96]  }
0x1a: {  	s8 =	sadd.s32 $0xFFFFE003, lr  }
0x1b: {  	s9 =	sadd.s32 $0xFFFFFEF7, lr;
	s5 =	simm.s32 $0xFFFFFFFF;
	p2 =	slt.u32 s8, $0xFFFFF086  }
0x1c: {  	p1 =	slt.u32 s9, $0xF7A;
	s5 =	simm.s32 @!p2 $0x0  }
0x1d: {  	s5 =	simm.s32 @p1 $0x1;
	p0 =	seq.s32 s7, s2  }
0x1e: {  	s7 =	smul.u32 @!p0 $0xF7A, s2;
	p2 =	seq.s32 @!p0 s5, $0x0  }
0x1f: {  	s9 =	smul.u32 $0xF7A, s1;
	s8 =	simm.s32 @!p0 $0x1BF5;
	p2 =	por !p2, p0  }
0x20: {  	[sflag:s8] =	ssyncset.s32 @!p0 $0xFFFFF086;
	s6 =	sadd.s32 @!p0 s3, s7;
	s7 =	simm.s32 @!p0 $0x108  }
0x21: {  	s3 =	sadd.s32 s3, s9;
	s6 =	sadd.s32 @!p0 $0x88, s6;
	s7 =	simm.s32 @p2 $0x1082  }
0x22: {  	[simem:s7], [sflag:s8] =	dma.local @!p0 [hbm:s6], $0xF7A  }
0x23: {  	s9 =	sor.u32 $0xD0000000, s2;
	s6 =	simm.s32 $0x108;
	_ =	swait.ge @!p0 [sflag:s8], $0x0  }
0x24: {  	s3 =	sadd.s32 $0x88, s3;
	s6 =	simm.s32 @!p1 $0x1082;
	[sflag:s4] =	ssyncset.s32 $0xFFFFF086  }
0x25: {  	[simem:s6], [sflag:s4] =	dma.local [hbm:s3], $0xF7A  }
0x26: {  	[smem:$0x3F96] =	sst s1;
	(tag) =	ssettag s2;
	_ =	strace s9  }
0x27: {  	s1 =	sld [smem:$0x3FA6]  }
0x28: {  	s2 =	sld [smem:$0x3FA7]  }
0x29: {  	s4 =	sld [smem:$0x3FA9]  }
0x2a: {  	p0 =	seq.s32 s5, $0x0;
	s5 =	sld [smem:$0x3FAA]  }
0x2b: {  	s6 =	sld [smem:$0x3FAB]  }
0x2c: {  	s7 =	sld [smem:$0x3FAC]  }
0x2d: {  	s3 =	simm.s32 $0x108;
	s8 =	sld [smem:$0x3FAD]  }
0x2e: {  	s3 =	simm.s32 @!p0 $0x1082;
	s9 =	sld [smem:$0x3FAE]  }
0x2f: {  	lr =	sadd.s32 s0, s3;
	s0 =	sld [smem:$0x3FA5]  }
0x30: {  	s3 =	sld [smem:$0x3FA8]  }
0x31: {  	[smem:$0x3FB1] =	sst s10  }
0x32: {  	s10 =	sld [smem:$0x3FAF];
	_ =	sdelay $0x3  }
0x33: {  	p0 =	seq.s32 s10, $0x1;
	s10 =	sld [smem:$0x3FB1];
	_ =	sdelay $0x3  }
0x34: {  	[smem:$0x3FB1] =	sst s10  }
0x35: {  	s10 =	sld [smem:$0x3FB0];
	_ =	sdelay $0x3  }
0x36: {  	p1 =	seq.s32 s10, $0x1;
	s10 =	sld [smem:$0x3FB1];
	_ =	sdelay $0x3  }
0x37: {  	[smem:$0x3FB1] =	sst s10  }
0x38: {  	s10 =	sld [smem:$0x3FB2]  }
0x39: {  	_ = 	snop;
	(pc) =	sbr.ind lr, $3  }
0x3a: {  	_ = 	snop  }
0x3b: {  	_ = 	snop  }
0x3c: {  	p2 =	seq.s32 s10, $0x1;
	s10 =	sld [smem:$0x3FB1]  }
0x3d: {  	_ =	shalt  }
0x3e: {  	_ =	shalt  }
0x3f: {  	_ =	shalt  }
0x40: {  	_ =	shalt  }
0x41: {  	_ =	shalt  }
0x42: {  	_ =	shalt  }
0x43: {  	_ =	shalt  }
0x44: {  	_ =	shalt  }
0x45: {  	_ =	shalt  }
0x46: {  	_ =	shalt  }
0x47: {  	_ =	shalt  }
0x48: {  	_ =	shalt  }
0x49: {  	_ =	shalt  }
0x4a: {  	_ =	shalt  }
0x4b: {  	_ =	shalt  }
0x4c: {  	_ =	shalt  }
0x4d: {  	_ =	shalt  }
0x4e: {  	_ =	shalt  }
0x4f: {  	_ =	shalt  }
0x50: {  	_ =	shalt  }
0x51: {  	_ =	shalt  }
0x52: {  	_ =	shalt  }
0x53: {  	_ =	shalt  }
0x54: {  	_ =	shalt  }
0x55: {  	_ =	shalt  }
0x56: {  	_ =	shalt  }
0x57: {  	_ =	shalt  }
0x58: {  	_ =	shalt  }
0x59: {  	_ =	shalt  }
0x5a: {  	_ =	shalt  }
0x5b: {  	_ =	shalt  }
0x5c: {  	_ =	shalt  }
0x5d: {  	_ =	shalt  }
0x5e: {  	_ =	shalt  }
0x5f: {  	_ =	shalt  }
0x60: {  	_ =	shalt  }
0x61: {  	_ =	shalt  }
0x62: {  	_ =	shalt  }
0x63: {  	_ =	shalt  }
0x64: {  	_ =	shalt  }
0x65: {  	_ =	shalt  }
0x66: {  	_ =	shalt  }
0x67: {  	_ =	shalt  }
0x68: {  	_ =	shalt  }
0x69: {  	_ =	shalt  }
0x6a: {  	_ =	shalt  }
0x6b: {  	_ =	shalt  }
0x6c: {  	_ =	shalt  }
0x6d: {  	_ =	shalt  }
0x6e: {  	_ =	shalt  }
0x6f: {  	_ =	shalt  }
0x70: {  	_ =	shalt  }
0x71: {  	_ =	shalt  }
0x72: {  	_ =	shalt  }
0x73: {  	_ =	shalt  }
0x74: {  	_ =	shalt  }
0x75: {  	_ =	shalt  }
0x76: {  	_ =	shalt  }
0x77: {  	_ =	shalt  }
0x78: {  	_ =	shalt  }
0x79: {  	_ =	shalt  }
0x7a: {  	_ =	shalt  }
0x7b: {  	_ =	shalt  }
0x7c: {  	_ =	shalt  }
0x7d: {  	_ =	shalt  }
0x7e: {  	_ =	shalt  }
0x7f: {  	_ =	shalt  }
0x80: {  	_ =	shalt  }
0x81: {  	_ =	shalt  }
0x82: {  	_ =	shalt  }
0x83: {  	_ =	shalt  }
0x84: {  	_ =	shalt  }
0x85: {  	_ =	shalt  }
0x86: {  	_ =	shalt  }
0x87: {  	_ =	shalt  }
.Lfunc_end0:
.L_simem_size_0:
called_computation_lowered:
.L_overlay_start_0:
0x88: {  	s2 =	sld [smem:$0x3FD9]  }
0x89: {  	s3 =	sld [smem:$0x3FFE];
	_ =	sdelay $0x1  }
0x8a: {  	s1 =	srdreg.scid  }
0x8b: {  	s0 =	sand.u32 $0x1, s1  }
0x8c: {  	s17 =	sshll.u32 s0, $0xA;
	s2 =	sadd.s32 s3, s2  }
0x8d: {  	s2 =	sadd.s32 s2, s17  }
0x8e: {  	[smem:$0x3FBD] =	sst s2  }
0x8f: {  	_ = 	snop  }
0x90: {  	s2 =	sld [smem:$0x3FC9];
	(tm) =	ssettm $0x1  }
0x91: {  	s18 =	sld [smem:$0x3FFB];
	_ =	sdelay $0x3  }
0x92: {  	_ =	strace s18  }
0x93: {  	s3 =	sld [smem:$0x3FFC];
	_ =	sdelay $0x3  }
0x94: {  	_ =	strace s3  }
0x95: {  	s3 =	sld [smem:$0x3FFD];
	_ =	sdelay $0x3  }
0x96: {  	_ =	strace s3  }
0x97: {  	_ =	strace $0x8FFFFFFF  }
0x98: {  	s19 =	sld [smem:$0x3FDB];
	_ =	sdelay $0x1  }
0x99: {  	s4 =	simm.s32 $_scs_section_size  }
0x9a: {  	s5 =	simm.s32 $_size__tile_overlayer_lowered;
	s6 =	simm.s32 $_tile_overlayer_lowered  }
0x9b: {  	s22 =	simm.s32 $0x1BFF;
	s21 =	sshll.u32 s6, $0x1;
	s3 =	sadd.s32 s4, s19  }
0x9c: {  	s7 =	simm.s32 $0x0;
	s20 =	sshll.u32 s5, $0x1;
	s5 =	sadd.s32 s21, s3  }
0x9d: {  	[timem:s7], [sflag:s22] =	dma.local [hbm:s5], s20  }
0x9e: {  	_ =	swait.ge [sflag:s22], s20  }
0x9f: {  	s4 =	ssub.s32 $0x0, s20;
	[sflag:s22] =	ssyncset.done $0x0  }
0xa0: {  	[sflag:s22] =	ssyncadd.s32 s4;
	_ =	sdelay $0x1  }
0xa1: {  	s23 =	simm.s32 $0x1B8B  }
0xa2: {  	_ =	swait.ge [sflag:s23], $0x1  }
0xa3: {  	[sflag:s23] =	ssyncset.done $0x0  }
0xa4: {  	s25 =	simm.s32 $0x1B8E;
	s24 =	sld [smem:$0x3FFE];
	[sflag:s23] =	ssyncadd.s32 $0xFFFFFFFF  }
0xa5: {  	s26 =	simm.s32 $execute0_lowered;
	[smem:$0x3FD2] =	sst s25  }
0xa6: {  	s5 =	sshll.u32 s26, $0x1;
	_ =	strace $0x80000046;
	[dreg:$0x1] =	wrdreg $0xFFFFFFFF  }
0xa7: {  	s28 =	simm.s32 $_size_execute0_lowered;
	s3 =	sadd.s32 s3, s5;
	[dreg:$0x0] =	wrdreg $0x0  }
0xa8: {  	s5 =	sshll.u32 s28, $0x1;
	[dreg:$0x2] =	wrdreg s3  }
0xa9: {  	[dreg:$0x3] =	wrdreg s5  }
0xaa: {  	[dreg:$0x4] =	wrdreg $0xC0  }
0xab: {  	_ =	task [dreg:s7], $0x5FFFF  }
0xac: {  	[dreg:$0x1] =	wrdreg $0xFFFFFFFF  }
0xad: {  	[dreg:$0x0] =	wrdreg $0x60  }
0xae: {  	[dreg:$0x2] =	wrdreg s2  }
0xaf: {  	[dreg:$0x3] =	wrdreg s24  }
0xb0: {  	[dreg:$0x4] =	wrdreg $0xAA000  }
0xb1: {  	[dreg:$0x5] =	wrdreg $0x9  }
0xb2: {  	_ =	task.clear_ibuf [dreg:s7], $0x6FFFF;
	_ =	strace $0x90000046  }
0xb3: {  	s29 =	simm.s32 $0x9;
	_ =	strace $0x80000048  }
0xb4: {  	_ =	swait.ge [sflag:s29], $0x1  }
0xb5: {  	[sflag:s29] =	ssyncadd.s32 $0xFFFFFFFF  }
0xb6: {  	_ =	strace $0x90000048  }
0xb7: {  	_ =	sfence  }
0xb8: {  	s30 =	sld [smem:$0x0];
	_ =	sdelay $0x2  }
0xb9: {  	s31 =	sshll.u32 s1, $0xD;
	s1 =	sshrl.u32 s1, $0x2  }
0xba: {  	s3 =	sand.u32 $0x4000, s31;
	s1 =	sadd.s32 s1, s30  }
0xbb: {  	s0 =	sor.u32 s3, s0;
	s1 =	sshll.u32 s1, $0x11  }
0xbc: {  	s0 =	sor.u32 s1, s0  }
0xbd: {  	s0 =	sadd.s32 $0x8F2B, s0  }
0xbe: {  	[sflag:s0] =	ssyncadd.remote.s32 $0x1  }
0xbf: {  	_ =	sfence.sel $0xFFFF  }
0xc0: {  	[dreg:$0x0] =	wrdreg $0xFFFFFFFF;
	(pc) =	sbr.abs _section_cstart, $3  }
0xc1: {  	[dreg:$0x1] =	wrdreg $0xFFFFFFFF  }
0xc2: {  	_ =	task.clear_ibuf [dreg:s7], $0x2FFFF;
	_ =	strace $0x9FFFFFFF  }
0xc3: {  	(tm) =	ssettm $0x7FFFFFFF  }
tec
execute0_lowered:
.L_overlay_start_1:
0x0: {  	(tag) =	ssettag $0x1  }
0x1: {  	s1 =	rddreg [dreg:$0x0]  }
0x2: {  	s0 =	srdreg.scid;
	s6 =	rddreg [dreg:$0x1]  }
0x3: {  	s3 =	rddreg [dreg:$0x2];
	s4 =	simm.s32 $0x0;
	s13 =	simm.s32 $0x2800  }
0x4: {  	s14 =	simm.s32 $0x2A00;
	s15 =	simm.s32 $0x2880;
	s16 =	simm.s32 $0x6A00  }
0x5: {  	s17 =	simm.s32 $0x1;
	s18 =	simm.s32 $0x2900;
	s19 =	simm.s32 $0x2  }
0x6: {  	s20 =	simm.s32 $0x2980;
	s5 =	sand.u32 $0x1, s0;
	s0 =	stileid.u32  }
0x7: {  	s21 =	simm.s32 $0x0;
	[smem:$0x7FF] =	sst s4;
	s8 =	smul.u32 $0x13C00, s0  }
0x8: {  	s2 =	sshll.u32 s5, $0x4;
	s9 =	smul.u32 $0x13C000, s5;
	s5 =	ssub.s32 $0x2, s5  }
0x9: {  	s28 =	smul.u32 $0x4F000, s0;
	s31 =	sshll.u32 s0, $0x6;
	s2 =	sor.u32 s0, s2  }
0xa: {  	s29 =	sshrl.u32 s5, $0x1;
	s7 =	smul.u32 $0x500, s2;
	s2 =	rddreg [dreg:$0x3]  }
0xb: {  	_ =	strace $0x80000047;
	s10 =	sshrl.u32 s8, $0x3;
	s8 =	sadd.s32 s8, s9  }
0xc: {  	s11 =	ssub.s32 s5, s29;
	s30 =	sshrl.u32 s28, $0x2;
	s8 =	sshrl.u32 s8, $0x3  }
0xd: {  	s10 =	sadd.s32 s10, s6;
	s12 =	sadd.s32 s30, s3;
	s9 =	smax.u32 s11, $0x1  }
0xe: {  	s11 =	simm.s32 $0x3;
	s7 =	sadd.s32 s7, s6;
	s8 =	sadd.s32 s8, s6  }
0xf: {  	s5 =	sadd.s32 $0xC400, s10;
	s6 =	sor.u32 $0x1C03, s31;
	s10 =	sshrl.u32 s12, $0x3  }
0x10: {  	s12 =	simm.s32 $0x80;
	s7 =	sadd.s32 $0x2400, s7;
	s8 =	sadd.s32 $0x33C00, s8  }
.LBB2_1:
0x11: {  	[spmem:s10], [sflag:s6] =	dma.local [hbm:s5], $0x2780  }
0x12: {  	_ =	swait.ge [sflag:s11], $0x2780  }
0x13: {  	[sflag:s11] =	ssyncset.done $0x0  }
0x14: {  	[sflag:s11] =	ssyncadd.s32 $0xFFFFD880  }
0x15: {  	[tilespmem:s4], [sflag:$0x3] =	stream.linear.gather [hbm4b:s7+s4], $0x2800, $0x38;
	[tilespmem:$0x1E600] =	vst v63  }
0x16: {  	_ =	swait.ge [sflag:s11], $0x2800  }
0x17: {  	[sflag:s11] =	ssyncset.done $0x0  }
0x18: {  	[sflag:s11] =	ssyncadd.s32 $0xFFFFD800  }
0x19: {  	v0 =	vld [tilespmem:$0x0];
	_ =	sdelay $0x1  }
0x1a: {  	v1 =	vld [tilespmem:$0x10];
	_ =	sdelay $0x1  }
0x1b: {  	v2 =	vld [tilespmem:$0x20]  }
0x1c: {  	v3 =	vand.u32 $0xFFFF, v0  }
0x1d: {  	v0 =	vshrl.u32 v0, $0x10;
	[tilespmem:$0x2800] =	vst v3;
	v3 =	vld [tilespmem:$0x30]  }
0x1e: {  	[tilespmem:$0x2900] =	vst v0;
	v0 =	vand.u32 $0xFFFF, v1  }
0x1f: {  	[tilespmem:$0x2810] =	vst v0;
	v0 =	vshrl.u32 v1, $0x10;
	v1 =	vld [tilespmem:$0x40]  }
0x20: {  	[tilespmem:$0x2910] =	vst v0;
	v0 =	vand.u32 $0xFFFF, v2  }
0x21: {  	[tilespmem:$0x2820] =	vst v0;
	v0 =	vshrl.u32 v2, $0x10;
	v2 =	vld [tilespmem:$0x50]  }
0x22: {  	[tilespmem:$0x2920] =	vst v0;
	v0 =	vand.u32 $0xFFFF, v3  }
0x23: {  	[tilespmem:$0x2830] =	vst v0;
	v0 =	vshrl.u32 v3, $0x10;
	v3 =	vld [tilespmem:$0x60]  }
0x24: {  	[tilespmem:$0x2930] =	vst v0;
	v0 =	vand.u32 $0xFFFF, v1  }
0x25: {  	[tilespmem:$0x2840] =	vst v0;
	v0 =	vshrl.u32 v1, $0x10;
	v1 =	vld [tilespmem:$0x70]  }
0x26: {  	[tilespmem:$0x2940] =	vst v0;
	v0 =	vand.u32 $0xFFFF, v2  }
0x27: {  	[tilespmem:$0x2850] =	vst v0;
	v0 =	vshrl.u32 v2, $0x10  }
0x28: {  	[tilespmem:$0x2950] =	vst v0;
	v0 =	vand.u32 $0xFFFF, v3  }
0x29: {  	[tilespmem:$0x2860] =	vst v0;
	v0 =	vshrl.u32 v3, $0x10  }
0x2a: {  	[tilespmem:$0x2960] =	vst v0;
	v0 =	vand.u32 $0xFFFF, v1  }
0x2b: {  	[tilespmem:$0x2870] =	vst v0;
	v0 =	vshrl.u32 v1, $0x10  }
0x2c: {  	p0 =	por $0x1, $0x1;
	[tilespmem:$0x2970] =	vst v0  }
0x2d: {  	[tilespmem:s14], [sflag:$0x1] =	stream.indirect.gather [hbm4b:s1+s12], $0x80, s13, s12, $0xb8;
	[tilespmem:$0x1E600] =	vst v63  }
0x2e: {  	s22 =	simm.s32 @!p0 $0x2;
	[bflag:$0x0] =	sbarrier.arrive $0xFFFF  }
0x2f: {  	_ =	swait.ge @!p0 [sflag:s22], $0x4000  }
0x30: {  	[sflag:s22] =	ssyncset.done @!p0 $0x0  }
0x31: {  	s31 =	simm.s32 $0x0;
	[sflag:s22] =	ssyncadd.s32 @!p0 $0xFFFFC000  }
0x32: {  	v0 =	vld [tilespmem:s31+$0x80];
	_ =	sdelay $0x4  }
0x33: {  	v1 =	vand.u32 $0xFFFF, v0  }
0x34: {  	v0 =	vshrl.u32 v0, $0x10;
	[tilespmem:$0x2880] =	vst v1  }
0x35: {  	[tilespmem:$0x2980] =	vst v0  }
0x36: {  	v0 =	vld [tilespmem:s31+$0x90];
	_ =	sdelay $0x4  }
0x37: {  	v1 =	vand.u32 $0xFFFF, v0  }
0x38: {  	v0 =	vshrl.u32 v0, $0x10;
	[tilespmem:$0x2890] =	vst v1  }
0x39: {  	[tilespmem:$0x2990] =	vst v0  }
0x3a: {  	v0 =	vld [tilespmem:s31+$0xA0];
	_ =	sdelay $0x4  }
0x3b: {  	v1 =	vand.u32 $0xFFFF, v0  }
0x3c: {  	v0 =	vshrl.u32 v0, $0x10;
	[tilespmem:$0x28A0] =	vst v1  }
0x3d: {  	[tilespmem:$0x29A0] =	vst v0  }
0x3e: {  	v0 =	vld [tilespmem:s31+$0xB0];
	_ =	sdelay $0x4  }
0x3f: {  	v1 =	vand.u32 $0xFFFF, v0  }
0x40: {  	v0 =	vshrl.u32 v0, $0x10;
	[tilespmem:$0x28B0] =	vst v1  }
0x41: {  	[tilespmem:$0x29B0] =	vst v0  }
0x42: {  	v0 =	vld [tilespmem:s31+$0xC0];
	_ =	sdelay $0x4  }
0x43: {  	v1 =	vand.u32 $0xFFFF, v0  }
0x44: {  	v0 =	vshrl.u32 v0, $0x10;
	[tilespmem:$0x28C0] =	vst v1  }
0x45: {  	[tilespmem:$0x29C0] =	vst v0  }
0x46: {  	v0 =	vld [tilespmem:s31+$0xD0];
	_ =	sdelay $0x4  }
0x47: {  	v1 =	vand.u32 $0xFFFF, v0  }
0x48: {  	v0 =	vshrl.u32 v0, $0x10;
	[tilespmem:$0x28D0] =	vst v1  }
0x49: {  	[tilespmem:$0x29D0] =	vst v0  }
0x4a: {  	v0 =	vld [tilespmem:s31+$0xE0];
	_ =	sdelay $0x4  }
0x4b: {  	v1 =	vand.u32 $0xFFFF, v0  }
0x4c: {  	v0 =	vshrl.u32 v0, $0x10;
	[tilespmem:$0x28E0] =	vst v1  }
0x4d: {  	[tilespmem:$0x29E0] =	vst v0  }
0x4e: {  	v0 =	vld [tilespmem:s31+$0xF0];
	_ =	sdelay $0x4  }
0x4f: {  	v1 =	vand.u32 $0xFFFF, v0  }
0x50: {  	v0 =	vshrl.u32 v0, $0x10;
	[tilespmem:$0x28F0] =	vst v1  }
0x51: {  	[tilespmem:$0x29F0] =	vst v0  }
0x52: {  	[tilespmem:s16], [sflag:$0x1] =	stream.indirect.gather [hbm4b:s1+s12], $0x80, s15, s12, $0xb8;
	[tilespmem:$0x1E600] =	vst v63  }
0x53: {  	_ =	swait.ge [sflag:s17], $0x4000  }
0x54: {  	[sflag:s17] =	ssyncset.done $0x0  }
0x55: {  	[sflag:s17] =	ssyncadd.s32 $0xFFFFC000  }
0x56: {  	[spmem:s3] =	stream.indirect.scatter.add.f32 [tilespmem:s14], [sflag:$0x2], $0x80, s18, s12, $0xb8;
	[tilespmem:$0x1E600] =	vst v63  }
0x57: {  	_ =	swait.ge [sflag:s19], $0x4000  }
0x58: {  	p1 =	por $0x0, $0x0;
	[sflag:s19] =	ssyncset.done $0x0  }
0x59: {  	s24 =	simm.s32 @!p1 $0x0;
	[sflag:s19] =	ssyncadd.s32 $0xFFFFC000  }
0x5a: {  	v0 =	vld @!p1 [tilespmem:s24+$0x100];
	_ =	sdelay $0x4  }
0x5b: {  	v1 =	vand.u32 @!p1 $0xFFFF, v0  }
0x5c: {  	v0 =	vshrl.u32 @!p1 v0, $0x10;
	[tilespmem:$0x2800] =	vst @!p1 v1  }
0x5d: {  	[tilespmem:$0x2900] =	vst @!p1 v0  }
0x5e: {  	v0 =	vld @!p1 [tilespmem:s24+$0x110];
	_ =	sdelay $0x4  }
0x5f: {  	v1 =	vand.u32 @!p1 $0xFFFF, v0  }
0x60: {  	v0 =	vshrl.u32 @!p1 v0, $0x10;
	[tilespmem:$0x2810] =	vst @!p1 v1  }
0x61: {  	[tilespmem:$0x2910] =	vst @!p1 v0  }
0x62: {  	v0 =	vld @!p1 [tilespmem:s24+$0x120];
	_ =	sdelay $0x4  }
0x63: {  	v1 =	vand.u32 @!p1 $0xFFFF, v0  }
0x64: {  	v0 =	vshrl.u32 @!p1 v0, $0x10;
	[tilespmem:$0x2820] =	vst @!p1 v1  }
0x65: {  	[tilespmem:$0x2920] =	vst @!p1 v0  }
0x66: {  	v0 =	vld @!p1 [tilespmem:s24+$0x130];
	_ =	sdelay $0x4  }
0x67: {  	v1 =	vand.u32 @!p1 $0xFFFF, v0  }
0x68: {  	v0 =	vshrl.u32 @!p1 v0, $0x10;
	[tilespmem:$0x2830] =	vst @!p1 v1  }
0x69: {  	[tilespmem:$0x2930] =	vst @!p1 v0  }
0x6a: {  	v0 =	vld @!p1 [tilespmem:s24+$0x140];
	_ =	sdelay $0x4  }
0x6b: {  	v1 =	vand.u32 @!p1 $0xFFFF, v0  }
0x6c: {  	v0 =	vshrl.u32 @!p1 v0, $0x10;
	[tilespmem:$0x2840] =	vst @!p1 v1  }
0x6d: {  	[tilespmem:$0x2940] =	vst @!p1 v0  }
0x6e: {  	v0 =	vld @!p1 [tilespmem:s24+$0x150];
	_ =	sdelay $0x4  }
0x6f: {  	v1 =	vand.u32 @!p1 $0xFFFF, v0  }
0x70: {  	v0 =	vshrl.u32 @!p1 v0, $0x10;
	[tilespmem:$0x2850] =	vst @!p1 v1  }
0x71: {  	[tilespmem:$0x2950] =	vst @!p1 v0  }
0x72: {  	s22 =	simm.s32 $0x400;
	v0 =	vld @!p1 [tilespmem:s24+$0x160]  }
.LBB2_2:
0x73: {  	_ =	sdelay $0x1  }
0x74: {  	s23 =	smov.u32 s22;
	s22 =	sadd.s32 $0x400, s22  }
0x75: {  	p0 =	sne.s32 s22, $0xA000  }
0x76: {  	v1 =	vand.u32 @!p1 $0xFFFF, v0;
	v0 =	vshrl.u32 @!p1 v0, $0x10  }
0x77: {  	[tilespmem:$0x2860] =	vst @!p1 v1  }
0x78: {  	[tilespmem:$0x2960] =	vst @!p1 v0  }
0x79: {  	v0 =	vld @!p1 [tilespmem:s24+$0x170];
	_ =	sdelay $0x4  }
0x7a: {  	v1 =	vand.u32 @!p1 $0xFFFF, v0;
	v0 =	vshrl.u32 @!p1 v0, $0x10  }
0x7b: {  	[tilespmem:$0x2870] =	vst @!p1 v1  }
0x7c: {  	s25 =	simm.s32 @!p1 $0x2800;
	s26 =	simm.s32 @!p1 $0x2A00;
	s24 =	simm.s32 @!p1 $0x80;
	[tilespmem:$0x2970] =	vst @!p1 v0  }
0x7d: {  	[tilespmem:s26], [sflag:$0x1] =	stream.indirect.gather @!p1 [hbm4b:s1+s24], $0x80, s25, s24, $0xb8;
	[tilespmem:$0x1E600] =	vst v63  }
0x7e: {  	_ =	swait.ge [sflag:s17], $0x4000  }
0x7f: {  	p1 =	seq.s32 s23, $0x0;
	[sflag:s17] =	ssyncset.done $0x0  }
0x80: {  	s24 =	simm.s32 @!p1 $0x2;
	[sflag:s17] =	ssyncadd.s32 $0xFFFFC000  }
0x81: {  	[spmem:s3] =	stream.indirect.scatter.add.f32 [tilespmem:s16], [sflag:$0x2], $0x80, s20, s12, $0xb8;
	[tilespmem:$0x1E600] =	vst v63  }
0x82: {  	_ =	swait.ge @!p1 [sflag:s24], $0x4000  }
0x83: {  	[sflag:s24] =	ssyncset.done @!p1 $0x0  }
0x84: {  	[sflag:s24] =	ssyncadd.s32 @!p1 $0xFFFFC000;
	s24 =	sshra.s32 s23, $0x2  }
0x85: {  	v0 =	vld [tilespmem:s24+$0x80];
	_ =	sdelay $0x4  }
0x86: {  	v1 =	vand.u32 $0xFFFF, v0;
	v0 =	vshrl.u32 v0, $0x10  }
0x87: {  	[tilespmem:$0x2880] =	vst v1  }
0x88: {  	[tilespmem:$0x2980] =	vst v0  }
0x89: {  	v0 =	vld [tilespmem:s24+$0x90];
	_ =	sdelay $0x4  }
0x8a: {  	v1 =	vand.u32 $0xFFFF, v0;
	v0 =	vshrl.u32 v0, $0x10  }
0x8b: {  	[tilespmem:$0x2890] =	vst v1  }
0x8c: {  	[tilespmem:$0x2990] =	vst v0  }
0x8d: {  	v0 =	vld [tilespmem:s24+$0xA0];
	_ =	sdelay $0x4  }
0x8e: {  	v1 =	vand.u32 $0xFFFF, v0;
	v0 =	vshrl.u32 v0, $0x10  }
0x8f: {  	[tilespmem:$0x28A0] =	vst v1  }
0x90: {  	[tilespmem:$0x29A0] =	vst v0  }
0x91: {  	v0 =	vld [tilespmem:s24+$0xB0];
	_ =	sdelay $0x4  }
0x92: {  	v1 =	vand.u32 $0xFFFF, v0;
	v0 =	vshrl.u32 v0, $0x10  }
0x93: {  	[tilespmem:$0x28B0] =	vst v1  }
0x94: {  	[tilespmem:$0x29B0] =	vst v0  }
0x95: {  	v0 =	vld [tilespmem:s24+$0xC0];
	_ =	sdelay $0x4  }
0x96: {  	v1 =	vand.u32 $0xFFFF, v0;
	v0 =	vshrl.u32 v0, $0x10  }
0x97: {  	[tilespmem:$0x28C0] =	vst v1  }
0x98: {  	[tilespmem:$0x29C0] =	vst v0  }
0x99: {  	v0 =	vld [tilespmem:s24+$0xD0];
	_ =	sdelay $0x4  }
0x9a: {  	v1 =	vand.u32 $0xFFFF, v0;
	v0 =	vshrl.u32 v0, $0x10  }
0x9b: {  	[tilespmem:$0x28D0] =	vst v1  }
0x9c: {  	[tilespmem:$0x29D0] =	vst v0  }
0x9d: {  	v0 =	vld [tilespmem:s24+$0xE0];
	_ =	sdelay $0x4  }
0x9e: {  	v1 =	vand.u32 $0xFFFF, v0;
	v0 =	vshrl.u32 v0, $0x10  }
0x9f: {  	[tilespmem:$0x28E0] =	vst v1  }
0xa0: {  	[tilespmem:$0x29E0] =	vst v0  }
0xa1: {  	v0 =	vld [tilespmem:s24+$0xF0];
	_ =	sdelay $0x4  }
0xa2: {  	v1 =	vand.u32 $0xFFFF, v0;
	v0 =	vshrl.u32 v0, $0x10  }
0xa3: {  	[tilespmem:$0x28F0] =	vst v1  }
0xa4: {  	[tilespmem:$0x29F0] =	vst v0  }
0xa5: {  	[tilespmem:s16], [sflag:$0x1] =	stream.indirect.gather [hbm4b:s1+s12], $0x80, s15, s12, $0xb8;
	[tilespmem:$0x1E600] =	vst v63  }
0xa6: {  	_ =	swait.ge [sflag:s17], $0x4000  }
0xa7: {  	[sflag:s17] =	ssyncset.done $0x0  }
0xa8: {  	[sflag:s17] =	ssyncadd.s32 $0xFFFFC000  }
0xa9: {  	[spmem:s3] =	stream.indirect.scatter.add.f32 [tilespmem:s14], [sflag:$0x2], $0x80, s18, s12, $0xb8;
	[tilespmem:$0x1E600] =	vst v63  }
0xaa: {  	_ =	swait.ge [sflag:s19], $0x4000  }
0xab: {  	p1 =	seq.s32 s23, $0x9C00;
	[sflag:s19] =	ssyncset.done $0x0  }
0xac: {  	s24 =	sshra.s32 @!p1 s23, $0x2;
	[sflag:s19] =	ssyncadd.s32 $0xFFFFC000  }
0xad: {  	v0 =	vld @!p1 [tilespmem:s24+$0x100];
	_ =	sdelay $0x4  }
0xae: {  	v1 =	vand.u32 @!p1 $0xFFFF, v0;
	v0 =	vshrl.u32 @!p1 v0, $0x10  }
0xaf: {  	[tilespmem:$0x2800] =	vst @!p1 v1  }
0xb0: {  	[tilespmem:$0x2900] =	vst @!p1 v0  }
0xb1: {  	v0 =	vld @!p1 [tilespmem:s24+$0x110];
	_ =	sdelay $0x4  }
0xb2: {  	v1 =	vand.u32 @!p1 $0xFFFF, v0;
	v0 =	vshrl.u32 @!p1 v0, $0x10  }
0xb3: {  	[tilespmem:$0x2810] =	vst @!p1 v1  }
0xb4: {  	[tilespmem:$0x2910] =	vst @!p1 v0  }
0xb5: {  	v0 =	vld @!p1 [tilespmem:s24+$0x120];
	_ =	sdelay $0x4  }
0xb6: {  	v1 =	vand.u32 @!p1 $0xFFFF, v0;
	v0 =	vshrl.u32 @!p1 v0, $0x10  }
0xb7: {  	[tilespmem:$0x2820] =	vst @!p1 v1  }
0xb8: {  	[tilespmem:$0x2920] =	vst @!p1 v0  }
0xb9: {  	v0 =	vld @!p1 [tilespmem:s24+$0x130];
	_ =	sdelay $0x4  }
0xba: {  	v1 =	vand.u32 @!p1 $0xFFFF, v0;
	v0 =	vshrl.u32 @!p1 v0, $0x10  }
0xbb: {  	[tilespmem:$0x2830] =	vst @!p1 v1  }
0xbc: {  	[tilespmem:$0x2930] =	vst @!p1 v0  }
0xbd: {  	v0 =	vld @!p1 [tilespmem:s24+$0x140];
	_ =	sdelay $0x4  }
0xbe: {  	v1 =	vand.u32 @!p1 $0xFFFF, v0;
	v0 =	vshrl.u32 @!p1 v0, $0x10  }
0xbf: {  	[tilespmem:$0x2840] =	vst @!p1 v1  }
0xc0: {  	[tilespmem:$0x2940] =	vst @!p1 v0  }
0xc1: {  	v0 =	vld @!p1 [tilespmem:s24+$0x150];
	_ =	sdelay $0x3  }
.Ltmp0:
0xc2: {  	(pc) =	sbr.rel @p0 .LBB2_2-.Ltmp0, $4  }
0xc3: {  	v1 =	vand.u32 @!p1 $0xFFFF, v0;
	v0 =	vshrl.u32 @!p1 v0, $0x10  }
0xc4: {  	[tilespmem:$0x2850] =	vst @!p1 v1  }
0xc5: {  	[tilespmem:$0x2950] =	vst @!p1 v0  }
0xc6: {  	v0 =	vld @!p1 [tilespmem:s24+$0x160]  }
0xc7: {  	_ =	sdelay $0x3  }
0xc8: {  	v1 =	vand.u32 @!p1 $0xFFFF, v0  }
0xc9: {  	v0 =	vshrl.u32 @!p1 v0, $0x10;
	[tilespmem:$0x2860] =	vst @!p1 v1  }
0xca: {  	[tilespmem:$0x2960] =	vst @!p1 v0  }
0xcb: {  	v0 =	vld @!p1 [tilespmem:s24+$0x170];
	_ =	sdelay $0x4  }
0xcc: {  	v1 =	vand.u32 @!p1 $0xFFFF, v0  }
0xcd: {  	v0 =	vshrl.u32 @!p1 v0, $0x10;
	[tilespmem:$0x2870] =	vst @!p1 v1  }
0xce: {  	s22 =	simm.s32 @!p1 $0x80;
	s23 =	simm.s32 @!p1 $0x2800;
	s24 =	simm.s32 @!p1 $0x2A00;
	[tilespmem:$0x2970] =	vst @!p1 v0  }
0xcf: {  	[tilespmem:s24], [sflag:$0x1] =	stream.indirect.gather @!p1 [hbm4b:s1+s22], $0x80, s23, s22, $0xb8;
	[tilespmem:$0x1E600] =	vst v63  }
0xd0: {  	_ =	swait.ge [sflag:s17], $0x4000  }
0xd1: {  	[sflag:s17] =	ssyncset.done $0x0  }
0xd2: {  	[sflag:s17] =	ssyncadd.s32 $0xFFFFC000  }
0xd3: {  	[spmem:s3] =	stream.indirect.scatter.add.f32 [tilespmem:s16], [sflag:$0x2], $0x80, s20, s12, $0xb8;
	[tilespmem:$0x1E600] =	vst v63  }
0xd4: {  	_ =	swait.ge [sflag:s19], $0x4000  }
0xd5: {  	s21 =	sadd.s32 $0x1, s21;
	[sflag:s19] =	ssyncset.done $0x0  }
0xd6: {  	p0 =	sne.s32 s21, s9;
	[sflag:s19] =	ssyncadd.s32 $0xFFFFC000  }
.Ltmp1:
0xd7: {  	[bflag:$0x0] =	sbarrier.arrive $0xFFFF;
	(pc) =	sbr.rel @p0 .LBB2_1-.Ltmp1, $4  }
0xd8: {  	[hbm:s8], [sflag:s6] =	dma.local [spmem:s10], $0x2780  }
0xd9: {  	_ =	swait.ge [sflag:s11], $0x2780  }
0xda: {  	[sflag:s11] =	ssyncset.done $0x0  }
0xdb: {  	[sflag:s11] =	ssyncadd.s32 $0xFFFFD880  }
0xdc: {  	_ =	sfence.sel $0x180000  }
0xdd: {  	[bflag:$0x0] =	sbarrier.arrive $0xFFFF  }
0xde: {  	p0 =	sne.s32 s0, $0x0;
	_ =	strace $0x90000047  }
0xdf: {  	s0 =	sadd.s32 @!p0 $0x100000, s2;
	[bflag:$0x2] =	sbarrier.arrive $0xFFFF  }
0xe0: {  	[sflag:s0] =	ssyncadd.tile.s32 @!p0 $0x1;
	_ =	shalt  }
.Lfunc_end2:
_tile_overlayer_lowered:
.L_overlay_start_2:
0xe1: {  	(tag) =	ssettag $0x2  }
0xe2: {  	s0 =	rddreg [dreg:$0x0];
	s2 =	stileid.u32  }
0xe3: {  	s1 =	rddreg [dreg:$0x1];
	p0 =	sne.s32 s2, $0x0  }
0xe4: {  	s3 =	rddreg [dreg:$0x2];
	[bflag:$0x3] =	sbarrier.arrive $0xFFFF;
	s2 =	simm.s32 @!p0 $0x1C03  }
0xe5: {  	[timem:s3], [sflag:s2] =	dma.local @!p0 [hbm:s0], s1  }
0xe6: {  	s0 =	simm.s32 @!p0 $0x3  }
0xe7: {  	_ =	swait.ge @!p0 [sflag:s0], s1  }
0xe8: {  	s1 =	ssub.s32 @!p0 $0x0, s1;
	[sflag:s0] =	ssyncset.done @!p0 $0x0  }
0xe9: {  	[sflag:s0] =	ssyncadd.s32 @!p0 s1  }
0xea: {  	[bflag:$0x3] =	sbarrier.arrive $0xFFFF  }
0xeb: {  	_ =	shalt  }

// kernel: kernel.9.cloned.1.call-start
scs
__scs_entry_jumppad:
0x0: {  	(pc) =	sbr.rel $0x88, $3  }
0x1: {  	(tag) =	ssettag $0x0;
	lr =	simm.s32 $0x1  }
0x2: {  	[smem:$0x3F96] =	sst lr;
	_ =	strace $0xD0000000  }
0x3: {  	_ = 	snop  }
0x4: {  	_ = 	snop  }
0x5: {  	_ = 	snop  }
0x6: {  	_ = 	snop  }
0x7: {  	_ = 	snop  }
__scs_overlays_trampoline_lowered:
0x8: {  	[smem:$0x3FA5] =	sst s0  }
0x9: {  	[smem:$0x3FA6] =	sst s1  }
0xa: {  	[smem:$0x3FA7] =	sst s2  }
0xb: {  	[smem:$0x3FA8] =	sst s3  }
0xc: {  	[smem:$0x3FA9] =	sst s4  }
0xd: {  	[smem:$0x3FAA] =	sst s5  }
0xe: {  	[smem:$0x3FAB] =	sst s6  }
0xf: {  	[smem:$0x3FAC] =	sst s7  }
0x10: {  	[smem:$0x3FAD] =	sst s8  }
0x11: {  	[smem:$0x3FAE] =	sst s9;
	s0 =	simm.s32 @!p0 $0x0  }
0x12: {  	s1 =	sld [smem:$0x3F94];
	s0 =	simm.s32 @p0 $0x1  }
0x13: {  	[smem:$0x3FAF] =	sst s0;
	s0 =	simm.s32 @!p1 $0x0  }
0x14: {  	s2 =	sld [smem:$0x3F93];
	s0 =	simm.s32 @p1 $0x1  }
0x15: {  	[smem:$0x3FB0] =	sst s0;
	s0 =	simm.s32 @!p2 $0x0  }
0x16: {  	s3 =	sld [smem:$0x3FDB];
	s0 =	simm.s32 @p2 $0x1  }
0x17: {  	s4 =	simm.s32 $0x1BF5;
	[smem:$0x3FB2] =	sst s0  }
0x18: {  	s0 =	sld [smem:$0x3F95];
	_ =	swait.ge [sflag:s4], $0x0  }
0x19: {  	s7 =	sld [smem:$0x3F96]  }
0x1a: {  	s8 =	sadd.s32 $0xFFFFE003, lr  }
0x1b: {  	s9 =	sadd.s32 $0xFFFFFEF7, lr;
	s5 =	simm.s32 $0xFFFFFFFF;
	p2 =	slt.u32 s8, $0xFFFFF086  }
0x1c: {  	p1 =	slt.u32 s9, $0xF7A;
	s5 =	simm.s32 @!p2 $0x0  }
0x1d: {  	s5 =	simm.s32 @p1 $0x1;
	p0 =	seq.s32 s7, s2  }
0x1e: {  	s7 =	smul.u32 @!p0 $0xF7A, s2;
	p2 =	seq.s32 @!p0 s5, $0x0  }
0x1f: {  	s9 =	smul.u32 $0xF7A, s1;
	s8 =	simm.s32 @!p0 $0x1BF5;
	p2 =	por !p2, p0  }
0x20: {  	[sflag:s8] =	ssyncset.s32 @!p0 $0xFFFFF086;
	s6 =	sadd.s32 @!p0 s3, s7;
	s7 =	simm.s32 @!p0 $0x108  }
0x21: {  	s3 =	sadd.s32 s3, s9;
	s6 =	sadd.s32 @!p0 $0x88, s6;
	s7 =	simm.s32 @p2 $0x1082  }
0x22: {  	[simem:s7], [sflag:s8] =	dma.local @!p0 [hbm:s6], $0xF7A  }
0x23: {  	s9 =	sor.u32 $0xD0000000, s2;
	s6 =	simm.s32 $0x108;
	_ =	swait.ge @!p0 [sflag:s8], $0x0  }
0x24: {  	s3 =	sadd.s32 $0x88, s3;
	s6 =	simm.s32 @!p1 $0x1082;
	[sflag:s4] =	ssyncset.s32 $0xFFFFF086  }
0x25: {  	[simem:s6], [sflag:s4] =	dma.local [hbm:s3], $0xF7A  }
0x26: {  	[smem:$0x3F96] =	sst s1;
	(tag) =	ssettag s2;
	_ =	strace s9  }
0x27: {  	s1 =	sld [smem:$0x3FA6]  }
0x28: {  	s2 =	sld [smem:$0x3FA7]  }
0x29: {  	s4 =	sld [smem:$0x3FA9]  }
0x2a: {  	p0 =	seq.s32 s5, $0x0;
	s5 =	sld [smem:$0x3FAA]  }
0x2b: {  	s6 =	sld [smem:$0x3FAB]  }
0x2c: {  	s7 =	sld [smem:$0x3FAC]  }
0x2d: {  	s3 =	simm.s32 $0x108;
	s8 =	sld [smem:$0x3FAD]  }
0x2e: {  	s3 =	simm.s32 @!p0 $0x1082;
	s9 =	sld [smem:$0x3FAE]  }
0x2f: {  	lr =	sadd.s32 s0, s3;
	s0 =	sld [smem:$0x3FA5]  }
0x30: {  	s3 =	sld [smem:$0x3FA8]  }
0x31: {  	[smem:$0x3FB1] =	sst s10  }
0x32: {  	s10 =	sld [smem:$0x3FAF];
	_ =	sdelay $0x3  }
0x33: {  	p0 =	seq.s32 s10, $0x1;
	s10 =	sld [smem:$0x3FB1];
	_ =	sdelay $0x3  }
0x34: {  	[smem:$0x3FB1] =	sst s10  }
0x35: {  	s10 =	sld [smem:$0x3FB0];
	_ =	sdelay $0x3  }
0x36: {  	p1 =	seq.s32 s10, $0x1;
	s10 =	sld [smem:$0x3FB1];
	_ =	sdelay $0x3  }
0x37: {  	[smem:$0x3FB1] =	sst s10  }
0x38: {  	s10 =	sld [smem:$0x3FB2]  }
0x39: {  	_ = 	snop;
	(pc) =	sbr.ind lr, $3  }
0x3a: {  	_ = 	snop  }
0x3b: {  	_ = 	snop  }
0x3c: {  	p2 =	seq.s32 s10, $0x1;
	s10 =	sld [smem:$0x3FB1]  }
0x3d: {  	_ =	shalt  }
0x3e: {  	_ =	shalt  }
0x3f: {  	_ =	shalt  }
0x40: {  	_ =	shalt  }
0x41: {  	_ =	shalt  }
0x42: {  	_ =	shalt  }
0x43: {  	_ =	shalt  }
0x44: {  	_ =	shalt  }
0x45: {  	_ =	shalt  }
0x46: {  	_ =	shalt  }
0x47: {  	_ =	shalt  }
0x48: {  	_ =	shalt  }
0x49: {  	_ =	shalt  }
0x4a: {  	_ =	shalt  }
0x4b: {  	_ =	shalt  }
0x4c: {  	_ =	shalt  }
0x4d: {  	_ =	shalt  }
0x4e: {  	_ =	shalt  }
0x4f: {  	_ =	shalt  }
0x50: {  	_ =	shalt  }
0x51: {  	_ =	shalt  }
0x52: {  	_ =	shalt  }
0x53: {  	_ =	shalt  }
0x54: {  	_ =	shalt  }
0x55: {  	_ =	shalt  }
0x56: {  	_ =	shalt  }
0x57: {  	_ =	shalt  }
0x58: {  	_ =	shalt  }
0x59: {  	_ =	shalt  }
0x5a: {  	_ =	shalt  }
0x5b: {  	_ =	shalt  }
0x5c: {  	_ =	shalt  }
0x5d: {  	_ =	shalt  }
0x5e: {  	_ =	shalt  }
0x5f: {  	_ =	shalt  }
0x60: {  	_ =	shalt  }
0x61: {  	_ =	shalt  }
0x62: {  	_ =	shalt  }
0x63: {  	_ =	shalt  }
0x64: {  	_ =	shalt  }
0x65: {  	_ =	shalt  }
0x66: {  	_ =	shalt  }
0x67: {  	_ =	shalt  }
0x68: {  	_ =	shalt  }
0x69: {  	_ =	shalt  }
0x6a: {  	_ =	shalt  }
0x6b: {  	_ =	shalt  }
0x6c: {  	_ =	shalt  }
0x6d: {  	_ =	shalt  }
0x6e: {  	_ =	shalt  }
0x6f: {  	_ =	shalt  }
0x70: {  	_ =	shalt  }
0x71: {  	_ =	shalt  }
0x72: {  	_ =	shalt  }
0x73: {  	_ =	shalt  }
0x74: {  	_ =	shalt  }
0x75: {  	_ =	shalt  }
0x76: {  	_ =	shalt  }
0x77: {  	_ =	shalt  }
0x78: {  	_ =	shalt  }
0x79: {  	_ =	shalt  }
0x7a: {  	_ =	shalt  }
0x7b: {  	_ =	shalt  }
0x7c: {  	_ =	shalt  }
0x7d: {  	_ =	shalt  }
0x7e: {  	_ =	shalt  }
0x7f: {  	_ =	shalt  }
0x80: {  	_ =	shalt  }
0x81: {  	_ =	shalt  }
0x82: {  	_ =	shalt  }
0x83: {  	_ =	shalt  }
0x84: {  	_ =	shalt  }
0x85: {  	_ =	shalt  }
0x86: {  	_ =	shalt  }
0x87: {  	_ =	shalt  }
.Lfunc_end0:
.L_simem_size_0:
called_computation.1_lowered:
.L_overlay_start_0:
0x88: {  	s2 =	sld [smem:$0x3FD9]  }
0x89: {  	s3 =	sld [smem:$0x3FFE];
	_ =	sdelay $0x1  }
0x8a: {  	s1 =	srdreg.scid  }
0x8b: {  	s0 =	sand.u32 $0x1, s1  }
0x8c: {  	s14 =	sshll.u32 s0, $0xA;
	s2 =	sadd.s32 s3, s2  }
0x8d: {  	s2 =	sadd.s32 s2, s14  }
0x8e: {  	[smem:$0x3FBD] =	sst s2  }
0x8f: {  	_ = 	snop  }
0x90: {  	s2 =	sld [smem:$0x3FD0];
	_ =	sdelay $0x2  }
0x91: {  	s15 =	simm.s32 $0xA;
	s4 =	simm.s32 $0x10  }
0x92: {  	[smem:s4], [sflag:s15] =	dma.local [hbm:s2], $0x1  }
0x93: {  	_ =	swait.eq [sflag:s15], $0x1  }
0x94: {  	[sflag:s15] =	ssyncset.done $0x0  }
0x95: {  	[sflag:s15] =	ssyncadd.s32 $0xFFFFFFFF  }
0x96: {  	s16 =	sld [smem:$0x11];
	(tm) =	ssettm $0x1  }
0x97: {  	s17 =	sld [smem:$0x3FFB];
	_ =	sdelay $0x3  }
0x98: {  	_ =	strace s17  }
0x99: {  	s3 =	sld [smem:$0x3FFC];
	_ =	sdelay $0x3  }
0x9a: {  	_ =	strace s3  }
0x9b: {  	s3 =	sld [smem:$0x3FFD];
	_ =	sdelay $0x3  }
0x9c: {  	_ =	strace s3  }
0x9d: {  	_ =	strace $0x8FFFFFFF  }
0x9e: {  	s18 =	sld [smem:$0x3FDB];
	_ =	sdelay $0x1  }
0x9f: {  	s19 =	simm.s32 $_scs_section_size  }
0xa0: {  	s5 =	simm.s32 $_size__tile_overlayer_lowered;
	s6 =	simm.s32 $_tile_overlayer_lowered  }
0xa1: {  	s22 =	simm.s32 $0x1BFF;
	s21 =	sshll.u32 s6, $0x1;
	s3 =	sadd.s32 s19, s18  }
0xa2: {  	s7 =	simm.s32 $0x0;
	s20 =	sshll.u32 s5, $0x1;
	s5 =	sadd.s32 s21, s3  }
0xa3: {  	[timem:s7], [sflag:s22] =	dma.local [hbm:s5], s20  }
0xa4: {  	_ =	swait.ge [sflag:s22], s20  }
0xa5: {  	s4 =	ssub.s32 $0x0, s20;
	[sflag:s22] =	ssyncset.done $0x0  }
0xa6: {  	[sflag:s22] =	ssyncadd.s32 s4;
	_ =	sdelay $0x1  }
0xa7: {  	s23 =	simm.s32 $0x1B8B  }
0xa8: {  	_ =	swait.ge [sflag:s23], $0x1  }
0xa9: {  	[sflag:s23] =	ssyncset.done $0x0  }
0xaa: {  	s25 =	simm.s32 $0x1B8E;
	s24 =	sld [smem:$0x3FFE];
	[sflag:s23] =	ssyncadd.s32 $0xFFFFFFFF  }
0xab: {  	s26 =	simm.s32 $execute0_lowered;
	[smem:$0x3FD2] =	sst s25  }
0xac: {  	s5 =	sshll.u32 s26, $0x1;
	_ =	strace $0x80000049;
	[dreg:$0x1] =	wrdreg $0xFFFFFFFF  }
0xad: {  	s28 =	simm.s32 $_size_execute0_lowered;
	s3 =	sadd.s32 s3, s5;
	[dreg:$0x0] =	wrdreg $0x0  }
0xae: {  	s5 =	sshll.u32 s28, $0x1;
	[dreg:$0x2] =	wrdreg s3  }
0xaf: {  	[dreg:$0x3] =	wrdreg s5  }
0xb0: {  	[dreg:$0x4] =	wrdreg $0xC0  }
0xb1: {  	_ =	task [dreg:s7], $0x5FFFF  }
0xb2: {  	[dreg:$0x1] =	wrdreg $0xFFFFFFFF  }
0xb3: {  	[dreg:$0x0] =	wrdreg $0x60  }
0xb4: {  	[dreg:$0x2] =	wrdreg s16  }
0xb5: {  	[dreg:$0x3] =	wrdreg s24  }
0xb6: {  	[dreg:$0x4] =	wrdreg $0xAA000  }
0xb7: {  	[dreg:$0x5] =	wrdreg $0x9  }
0xb8: {  	_ =	task.clear_ibuf [dreg:s7], $0x6FFFF;
	_ =	strace $0x90000049  }
0xb9: {  	s29 =	simm.s32 $0x9;
	_ =	strace $0x8000004B  }
0xba: {  	_ =	swait.ge [sflag:s29], $0x1  }
0xbb: {  	[sflag:s29] =	ssyncadd.s32 $0xFFFFFFFF  }
0xbc: {  	_ =	strace $0x9000004B  }
0xbd: {  	_ =	sfence  }
0xbe: {  	s30 =	sld [smem:$0x0];
	_ =	sdelay $0x2  }
0xbf: {  	s31 =	sshll.u32 s1, $0xD;
	s1 =	sshrl.u32 s1, $0x2  }
0xc0: {  	s3 =	sand.u32 $0x4000, s31;
	s1 =	sadd.s32 s1, s30  }
0xc1: {  	s0 =	sor.u32 s3, s0;
	s1 =	sshll.u32 s1, $0x11  }
0xc2: {  	s0 =	sor.u32 s1, s0  }
0xc3: {  	s0 =	sadd.s32 $0x8F2B, s0  }
0xc4: {  	[sflag:s0] =	ssyncadd.remote.s32 $0x1  }
0xc5: {  	_ =	sfence.sel $0xFFFF  }
0xc6: {  	[dreg:$0x0] =	wrdreg $0xFFFFFFFF;
	(pc) =	sbr.abs _section_cstart, $3  }
0xc7: {  	[dreg:$0x1] =	wrdreg $0xFFFFFFFF  }
0xc8: {  	_ =	task.clear_ibuf [dreg:s7], $0x2FFFF;
	_ =	strace $0x9FFFFFFF  }
0xc9: {  	(tm) =	ssettm $0x7FFFFFFF  }
tec
execute0_lowered:
.L_overlay_start_1:
0x0: {  	(tag) =	ssettag $0x1  }
0x1: {  	s1 =	rddreg [dreg:$0x0]  }
0x2: {  	s0 =	srdreg.scid;
	s6 =	rddreg [dreg:$0x1]  }
0x3: {  	s3 =	rddreg [dreg:$0x2];
	s4 =	simm.s32 $0x0;
	s13 =	simm.s32 $0x2800  }
0x4: {  	s14 =	simm.s32 $0x2A00;
	s15 =	simm.s32 $0x2880;
	s16 =	simm.s32 $0x6A00  }
0x5: {  	s17 =	simm.s32 $0x1;
	s18 =	simm.s32 $0x2900;
	s19 =	simm.s32 $0x2  }
0x6: {  	s20 =	simm.s32 $0x2980;
	s5 =	sand.u32 $0x1, s0;
	s0 =	stileid.u32  }
0x7: {  	s21 =	simm.s32 $0x0;
	[smem:$0x7FF] =	sst s4;
	s8 =	smul.u32 $0x13C00, s0  }
0x8: {  	s2 =	sshll.u32 s5, $0x4;
	s9 =	smul.u32 $0x13C000, s5;
	s5 =	ssub.s32 $0x2, s5  }
0x9: {  	s28 =	smul.u32 $0x4F000, s0;
	s31 =	sshll.u32 s0, $0x6;
	s2 =	sor.u32 s0, s2  }
0xa: {  	s29 =	sshrl.u32 s5, $0x1;
	s7 =	smul.u32 $0x500, s2;
	s2 =	rddreg [dreg:$0x3]  }
0xb: {  	_ =	strace $0x8000004A;
	s10 =	sshrl.u32 s8, $0x3;
	s8 =	sadd.s32 s8, s9  }
0xc: {  	s11 =	ssub.s32 s5, s29;
	s30 =	sshrl.u32 s28, $0x2;
	s8 =	sshrl.u32 s8, $0x3  }
0xd: {  	s10 =	sadd.s32 s10, s6;
	s12 =	sadd.s32 s30, s3;
	s9 =	smax.u32 s11, $0x1  }
0xe: {  	s11 =	simm.s32 $0x3;
	s7 =	sadd.s32 s7, s6;
	s8 =	sadd.s32 s8, s6  }
0xf: {  	s5 =	sadd.s32 $0xC400, s10;
	s6 =	sor.u32 $0x1C03, s31;
	s10 =	sshrl.u32 s12, $0x3  }
0x10: {  	s12 =	simm.s32 $0x80;
	s7 =	sadd.s32 $0x2400, s7;
	s8 =	sadd.s32 $0x33C00, s8  }
.LBB2_1:
0x11: {  	[spmem:s10], [sflag:s6] =	dma.local [hbm:s5], $0x2780  }
0x12: {  	_ =	swait.ge [sflag:s11], $0x2780  }
0x13: {  	[sflag:s11] =	ssyncset.done $0x0  }
0x14: {  	[sflag:s11] =	ssyncadd.s32 $0xFFFFD880  }
0x15: {  	[tilespmem:s4], [sflag:$0x3] =	stream.linear.gather [hbm4b:s7+s4], $0x2800, $0x38;
	[tilespmem:$0x1E600] =	vst v63  }
0x16: {  	_ =	swait.ge [sflag:s11], $0x2800  }
0x17: {  	[sflag:s11] =	ssyncset.done $0x0  }
0x18: {  	[sflag:s11] =	ssyncadd.s32 $0xFFFFD800  }
0x19: {  	v0 =	vld [tilespmem:$0x0];
	_ =	sdelay $0x1  }
0x1a: {  	v1 =	vld [tilespmem:$0x10];
	_ =	sdelay $0x1  }
0x1b: {  	v2 =	vld [tilespmem:$0x20]  }
0x1c: {  	v3 =	vand.u32 $0xFFFF, v0  }
0x1d: {  	v0 =	vshrl.u32 v0, $0x10;
	[tilespmem:$0x2800] =	vst v3;
	v3 =	vld [tilespmem:$0x30]  }
0x1e: {  	[tilespmem:$0x2900] =	vst v0;
	v0 =	vand.u32 $0xFFFF, v1  }
0x1f: {  	[tilespmem:$0x2810] =	vst v0;
	v0 =	vshrl.u32 v1, $0x10;
	v1 =	vld [tilespmem:$0x40]  }
0x20: {  	[tilespmem:$0x2910] =	vst v0;
	v0 =	vand.u32 $0xFFFF, v2  }
0x21: {  	[tilespmem:$0x2820] =	vst v0;
	v0 =	vshrl.u32 v2, $0x10;
	v2 =	vld [tilespmem:$0x50]  }
0x22: {  	[tilespmem:$0x2920] =	vst v0;
	v0 =	vand.u32 $0xFFFF, v3  }
0x23: {  	[tilespmem:$0x2830] =	vst v0;
	v0 =	vshrl.u32 v3, $0x10;
	v3 =	vld [tilespmem:$0x60]  }
0x24: {  	[tilespmem:$0x2930] =	vst v0;
	v0 =	vand.u32 $0xFFFF, v1  }
0x25: {  	[tilespmem:$0x2840] =	vst v0;
	v0 =	vshrl.u32 v1, $0x10;
	v1 =	vld [tilespmem:$0x70]  }
0x26: {  	[tilespmem:$0x2940] =	vst v0;
	v0 =	vand.u32 $0xFFFF, v2  }
0x27: {  	[tilespmem:$0x2850] =	vst v0;
	v0 =	vshrl.u32 v2, $0x10  }
0x28: {  	[tilespmem:$0x2950] =	vst v0;
	v0 =	vand.u32 $0xFFFF, v3  }
0x29: {  	[tilespmem:$0x2860] =	vst v0;
	v0 =	vshrl.u32 v3, $0x10  }
0x2a: {  	[tilespmem:$0x2960] =	vst v0;
	v0 =	vand.u32 $0xFFFF, v1  }
0x2b: {  	[tilespmem:$0x2870] =	vst v0;
	v0 =	vshrl.u32 v1, $0x10  }
0x2c: {  	p0 =	por $0x1, $0x1;
	[tilespmem:$0x2970] =	vst v0  }
0x2d: {  	[tilespmem:s14], [sflag:$0x1] =	stream.indirect.gather [hbm4b:s1+s12], $0x80, s13, s12, $0xb8;
	[tilespmem:$0x1E600] =	vst v63  }
0x2e: {  	s22 =	simm.s32 @!p0 $0x2;
	[bflag:$0x0] =	sbarrier.arrive $0xFFFF  }
0x2f: {  	_ =	swait.ge @!p0 [sflag:s22], $0x4000  }
0x30: {  	[sflag:s22] =	ssyncset.done @!p0 $0x0  }
0x31: {  	s31 =	simm.s32 $0x0;
	[sflag:s22] =	ssyncadd.s32 @!p0 $0xFFFFC000  }
0x32: {  	v0 =	vld [tilespmem:s31+$0x80];
	_ =	sdelay $0x4  }
0x33: {  	v1 =	vand.u32 $0xFFFF, v0  }
0x34: {  	v0 =	vshrl.u32 v0, $0x10;
	[tilespmem:$0x2880] =	vst v1  }
0x35: {  	[tilespmem:$0x2980] =	vst v0  }
0x36: {  	v0 =	vld [tilespmem:s31+$0x90];
	_ =	sdelay $0x4  }
0x37: {  	v1 =	vand.u32 $0xFFFF, v0  }
0x38: {  	v0 =	vshrl.u32 v0, $0x10;
	[tilespmem:$0x2890] =	vst v1  }
0x39: {  	[tilespmem:$0x2990] =	vst v0  }
0x3a: {  	v0 =	vld [tilespmem:s31+$0xA0];
	_ =	sdelay $0x4  }
0x3b: {  	v1 =	vand.u32 $0xFFFF, v0  }
0x3c: {  	v0 =	vshrl.u32 v0, $0x10;
	[tilespmem:$0x28A0] =	vst v1  }
0x3d: {  	[tilespmem:$0x29A0] =	vst v0  }
0x3e: {  	v0 =	vld [tilespmem:s31+$0xB0];
	_ =	sdelay $0x4  }
0x3f: {  	v1 =	vand.u32 $0xFFFF, v0  }
0x40: {  	v0 =	vshrl.u32 v0, $0x10;
	[tilespmem:$0x28B0] =	vst v1  }
0x41: {  	[tilespmem:$0x29B0] =	vst v0  }
0x42: {  	v0 =	vld [tilespmem:s31+$0xC0];
	_ =	sdelay $0x4  }
0x43: {  	v1 =	vand.u32 $0xFFFF, v0  }
0x44: {  	v0 =	vshrl.u32 v0, $0x10;
	[tilespmem:$0x28C0] =	vst v1  }
0x45: {  	[tilespmem:$0x29C0] =	vst v0  }
0x46: {  	v0 =	vld [tilespmem:s31+$0xD0];
	_ =	sdelay $0x4  }
0x47: {  	v1 =	vand.u32 $0xFFFF, v0  }
0x48: {  	v0 =	vshrl.u32 v0, $0x10;
	[tilespmem:$0x28D0] =	vst v1  }
0x49: {  	[tilespmem:$0x29D0] =	vst v0  }
0x4a: {  	v0 =	vld [tilespmem:s31+$0xE0];
	_ =	sdelay $0x4  }
0x4b: {  	v1 =	vand.u32 $0xFFFF, v0  }
0x4c: {  	v0 =	vshrl.u32 v0, $0x10;
	[tilespmem:$0x28E0] =	vst v1  }
0x4d: {  	[tilespmem:$0x29E0] =	vst v0  }
0x4e: {  	v0 =	vld [tilespmem:s31+$0xF0];
	_ =	sdelay $0x4  }
0x4f: {  	v1 =	vand.u32 $0xFFFF, v0  }
0x50: {  	v0 =	vshrl.u32 v0, $0x10;
	[tilespmem:$0x28F0] =	vst v1  }
0x51: {  	[tilespmem:$0x29F0] =	vst v0  }
0x52: {  	[tilespmem:s16], [sflag:$0x1] =	stream.indirect.gather [hbm4b:s1+s12], $0x80, s15, s12, $0xb8;
	[tilespmem:$0x1E600] =	vst v63  }
0x53: {  	_ =	swait.ge [sflag:s17], $0x4000  }
0x54: {  	[sflag:s17] =	ssyncset.done $0x0  }
0x55: {  	[sflag:s17] =	ssyncadd.s32 $0xFFFFC000  }
0x56: {  	[spmem:s3] =	stream.indirect.scatter.add.f32 [tilespmem:s14], [sflag:$0x2], $0x80, s18, s12, $0xb8;
	[tilespmem:$0x1E600] =	vst v63  }
0x57: {  	_ =	swait.ge [sflag:s19], $0x4000  }
0x58: {  	p1 =	por $0x0, $0x0;
	[sflag:s19] =	ssyncset.done $0x0  }
0x59: {  	s24 =	simm.s32 @!p1 $0x0;
	[sflag:s19] =	ssyncadd.s32 $0xFFFFC000  }
0x5a: {  	v0 =	vld @!p1 [tilespmem:s24+$0x100];
	_ =	sdelay $0x4  }
0x5b: {  	v1 =	vand.u32 @!p1 $0xFFFF, v0  }
0x5c: {  	v0 =	vshrl.u32 @!p1 v0, $0x10;
	[tilespmem:$0x2800] =	vst @!p1 v1  }
0x5d: {  	[tilespmem:$0x2900] =	vst @!p1 v0  }
0x5e: {  	v0 =	vld @!p1 [tilespmem:s24+$0x110];
	_ =	sdelay $0x4  }
0x5f: {  	v1 =	vand.u32 @!p1 $0xFFFF, v0  }
0x60: {  	v0 =	vshrl.u32 @!p1 v0, $0x10;
	[tilespmem:$0x2810] =	vst @!p1 v1  }
0x61: {  	[tilespmem:$0x2910] =	vst @!p1 v0  }
0x62: {  	v0 =	vld @!p1 [tilespmem:s24+$0x120];
	_ =	sdelay $0x4  }
0x63: {  	v1 =	vand.u32 @!p1 $0xFFFF, v0  }
0x64: {  	v0 =	vshrl.u32 @!p1 v0, $0x10;
	[tilespmem:$0x2820] =	vst @!p1 v1  }
0x65: {  	[tilespmem:$0x2920] =	vst @!p1 v0  }
0x66: {  	v0 =	vld @!p1 [tilespmem:s24+$0x130];
	_ =	sdelay $0x4  }
0x67: {  	v1 =	vand.u32 @!p1 $0xFFFF, v0  }
0x68: {  	v0 =	vshrl.u32 @!p1 v0, $0x10;
	[tilespmem:$0x2830] =	vst @!p1 v1  }
0x69: {  	[tilespmem:$0x2930] =	vst @!p1 v0  }
0x6a: {  	v0 =	vld @!p1 [tilespmem:s24+$0x140];
	_ =	sdelay $0x4  }
0x6b: {  	v1 =	vand.u32 @!p1 $0xFFFF, v0  }
0x6c: {  	v0 =	vshrl.u32 @!p1 v0, $0x10;
	[tilespmem:$0x2840] =	vst @!p1 v1  }
0x6d: {  	[tilespmem:$0x2940] =	vst @!p1 v0  }
0x6e: {  	v0 =	vld @!p1 [tilespmem:s24+$0x150];
	_ =	sdelay $0x4  }
0x6f: {  	v1 =	vand.u32 @!p1 $0xFFFF, v0  }
0x70: {  	v0 =	vshrl.u32 @!p1 v0, $0x10;
	[tilespmem:$0x2850] =	vst @!p1 v1  }
0x71: {  	[tilespmem:$0x2950] =	vst @!p1 v0  }
0x72: {  	s22 =	simm.s32 $0x400;
	v0 =	vld @!p1 [tilespmem:s24+$0x160]  }
.LBB2_2:
0x73: {  	_ =	sdelay $0x1  }
0x74: {  	s23 =	smov.u32 s22;
	s22 =	sadd.s32 $0x400, s22  }
0x75: {  	p0 =	sne.s32 s22, $0xA000  }
0x76: {  	v1 =	vand.u32 @!p1 $0xFFFF, v0;
	v0 =	vshrl.u32 @!p1 v0, $0x10  }
0x77: {  	[tilespmem:$0x2860] =	vst @!p1 v1  }
0x78: {  	[tilespmem:$0x2960] =	vst @!p1 v0  }
0x79: {  	v0 =	vld @!p1 [tilespmem:s24+$0x170];
	_ =	sdelay $0x4  }
0x7a: {  	v1 =	vand.u32 @!p1 $0xFFFF, v0;
	v0 =	vshrl.u32 @!p1 v0, $0x10  }
0x7b: {  	[tilespmem:$0x2870] =	vst @!p1 v1  }
0x7c: {  	s25 =	simm.s32 @!p1 $0x2800;
	s26 =	simm.s32 @!p1 $0x2A00;
	s24 =	simm.s32 @!p1 $0x80;
	[tilespmem:$0x2970] =	vst @!p1 v0  }
0x7d: {  	[tilespmem:s26], [sflag:$0x1] =	stream.indirect.gather @!p1 [hbm4b:s1+s24], $0x80, s25, s24, $0xb8;
	[tilespmem:$0x1E600] =	vst v63  }
0x7e: {  	_ =	swait.ge [sflag:s17], $0x4000  }
0x7f: {  	p1 =	seq.s32 s23, $0x0;
	[sflag:s17] =	ssyncset.done $0x0  }
0x80: {  	s24 =	simm.s32 @!p1 $0x2;
	[sflag:s17] =	ssyncadd.s32 $0xFFFFC000  }
0x81: {  	[spmem:s3] =	stream.indirect.scatter.add.f32 [tilespmem:s16], [sflag:$0x2], $0x80, s20, s12, $0xb8;
	[tilespmem:$0x1E600] =	vst v63  }
0x82: {  	_ =	swait.ge @!p1 [sflag:s24], $0x4000  }
0x83: {  	[sflag:s24] =	ssyncset.done @!p1 $0x0  }
0x84: {  	[sflag:s24] =	ssyncadd.s32 @!p1 $0xFFFFC000;
	s24 =	sshra.s32 s23, $0x2  }
0x85: {  	v0 =	vld [tilespmem:s24+$0x80];
	_ =	sdelay $0x4  }
0x86: {  	v1 =	vand.u32 $0xFFFF, v0;
	v0 =	vshrl.u32 v0, $0x10  }
0x87: {  	[tilespmem:$0x2880] =	vst v1  }
0x88: {  	[tilespmem:$0x2980] =	vst v0  }
0x89: {  	v0 =	vld [tilespmem:s24+$0x90];
	_ =	sdelay $0x4  }
0x8a: {  	v1 =	vand.u32 $0xFFFF, v0;
	v0 =	vshrl.u32 v0, $0x10  }
0x8b: {  	[tilespmem:$0x2890] =	vst v1  }
0x8c: {  	[tilespmem:$0x2990] =	vst v0  }
0x8d: {  	v0 =	vld [tilespmem:s24+$0xA0];
	_ =	sdelay $0x4  }
0x8e: {  	v1 =	vand.u32 $0xFFFF, v0;
	v0 =	vshrl.u32 v0, $0x10  }
0x8f: {  	[tilespmem:$0x28A0] =	vst v1  }
0x90: {  	[tilespmem:$0x29A0] =	vst v0  }
0x91: {  	v0 =	vld [tilespmem:s24+$0xB0];
	_ =	sdelay $0x4  }
0x92: {  	v1 =	vand.u32 $0xFFFF, v0;
	v0 =	vshrl.u32 v0, $0x10  }
0x93: {  	[tilespmem:$0x28B0] =	vst v1  }
0x94: {  	[tilespmem:$0x29B0] =	vst v0  }
0x95: {  	v0 =	vld [tilespmem:s24+$0xC0];
	_ =	sdelay $0x4  }
0x96: {  	v1 =	vand.u32 $0xFFFF, v0;
	v0 =	vshrl.u32 v0, $0x10  }
0x97: {  	[tilespmem:$0x28C0] =	vst v1  }
0x98: {  	[tilespmem:$0x29C0] =	vst v0  }
0x99: {  	v0 =	vld [tilespmem:s24+$0xD0];
	_ =	sdelay $0x4  }
0x9a: {  	v1 =	vand.u32 $0xFFFF, v0;
	v0 =	vshrl.u32 v0, $0x10  }
0x9b: {  	[tilespmem:$0x28D0] =	vst v1  }
0x9c: {  	[tilespmem:$0x29D0] =	vst v0  }
0x9d: {  	v0 =	vld [tilespmem:s24+$0xE0];
	_ =	sdelay $0x4  }
0x9e: {  	v1 =	vand.u32 $0xFFFF, v0;
	v0 =	vshrl.u32 v0, $0x10  }
0x9f: {  	[tilespmem:$0x28E0] =	vst v1  }
0xa0: {  	[tilespmem:$0x29E0] =	vst v0  }
0xa1: {  	v0 =	vld [tilespmem:s24+$0xF0];
	_ =	sdelay $0x4  }
0xa2: {  	v1 =	vand.u32 $0xFFFF, v0;
	v0 =	vshrl.u32 v0, $0x10  }
0xa3: {  	[tilespmem:$0x28F0] =	vst v1  }
0xa4: {  	[tilespmem:$0x29F0] =	vst v0  }
0xa5: {  	[tilespmem:s16], [sflag:$0x1] =	stream.indirect.gather [hbm4b:s1+s12], $0x80, s15, s12, $0xb8;
	[tilespmem:$0x1E600] =	vst v63  }
0xa6: {  	_ =	swait.ge [sflag:s17], $0x4000  }
0xa7: {  	[sflag:s17] =	ssyncset.done $0x0  }
0xa8: {  	[sflag:s17] =	ssyncadd.s32 $0xFFFFC000  }
0xa9: {  	[spmem:s3] =	stream.indirect.scatter.add.f32 [tilespmem:s14], [sflag:$0x2], $0x80, s18, s12, $0xb8;
	[tilespmem:$0x1E600] =	vst v63  }
0xaa: {  	_ =	swait.ge [sflag:s19], $0x4000  }
0xab: {  	p1 =	seq.s32 s23, $0x9C00;
	[sflag:s19] =	ssyncset.done $0x0  }
0xac: {  	s24 =	sshra.s32 @!p1 s23, $0x2;
	[sflag:s19] =	ssyncadd.s32 $0xFFFFC000  }
0xad: {  	v0 =	vld @!p1 [tilespmem:s24+$0x100];
	_ =	sdelay $0x4  }
0xae: {  	v1 =	vand.u32 @!p1 $0xFFFF, v0;
	v0 =	vshrl.u32 @!p1 v0, $0x10  }
0xaf: {  	[tilespmem:$0x2800] =	vst @!p1 v1  }
0xb0: {  	[tilespmem:$0x2900] =	vst @!p1 v0  }
0xb1: {  	v0 =	vld @!p1 [tilespmem:s24+$0x110];
	_ =	sdelay $0x4  }
0xb2: {  	v1 =	vand.u32 @!p1 $0xFFFF, v0;
	v0 =	vshrl.u32 @!p1 v0, $0x10  }
0xb3: {  	[tilespmem:$0x2810] =	vst @!p1 v1  }
0xb4: {  	[tilespmem:$0x2910] =	vst @!p1 v0  }
0xb5: {  	v0 =	vld @!p1 [tilespmem:s24+$0x120];
	_ =	sdelay $0x4  }
0xb6: {  	v1 =	vand.u32 @!p1 $0xFFFF, v0;
	v0 =	vshrl.u32 @!p1 v0, $0x10  }
0xb7: {  	[tilespmem:$0x2820] =	vst @!p1 v1  }
0xb8: {  	[tilespmem:$0x2920] =	vst @!p1 v0  }
0xb9: {  	v0 =	vld @!p1 [tilespmem:s24+$0x130];
	_ =	sdelay $0x4  }
0xba: {  	v1 =	vand.u32 @!p1 $0xFFFF, v0;
	v0 =	vshrl.u32 @!p1 v0, $0x10  }
0xbb: {  	[tilespmem:$0x2830] =	vst @!p1 v1  }
0xbc: {  	[tilespmem:$0x2930] =	vst @!p1 v0  }
0xbd: {  	v0 =	vld @!p1 [tilespmem:s24+$0x140];
	_ =	sdelay $0x4  }
0xbe: {  	v1 =	vand.u32 @!p1 $0xFFFF, v0;
	v0 =	vshrl.u32 @!p1 v0, $0x10  }
0xbf: {  	[tilespmem:$0x2840] =	vst @!p1 v1  }
0xc0: {  	[tilespmem:$0x2940] =	vst @!p1 v0  }
0xc1: {  	v0 =	vld @!p1 [tilespmem:s24+$0x150];
	_ =	sdelay $0x3  }
.Ltmp0:
0xc2: {  	(pc) =	sbr.rel @p0 .LBB2_2-.Ltmp0, $4  }
0xc3: {  	v1 =	vand.u32 @!p1 $0xFFFF, v0;
	v0 =	vshrl.u32 @!p1 v0, $0x10  }
0xc4: {  	[tilespmem:$0x2850] =	vst @!p1 v1  }
0xc5: {  	[tilespmem:$0x2950] =	vst @!p1 v0  }
0xc6: {  	v0 =	vld @!p1 [tilespmem:s24+$0x160]  }
0xc7: {  	_ =	sdelay $0x3  }
0xc8: {  	v1 =	vand.u32 @!p1 $0xFFFF, v0  }
0xc9: {  	v0 =	vshrl.u32 @!p1 v0, $0x10;
	[tilespmem:$0x2860] =	vst @!p1 v1  }
0xca: {  	[tilespmem:$0x2960] =	vst @!p1 v0  }
0xcb: {  	v0 =	vld @!p1 [tilespmem:s24+$0x170];
	_ =	sdelay $0x4  }
0xcc: {  	v1 =	vand.u32 @!p1 $0xFFFF, v0  }
0xcd: {  	v0 =	vshrl.u32 @!p1 v0, $0x10;
	[tilespmem:$0x2870] =	vst @!p1 v1  }
0xce: {  	s22 =	simm.s32 @!p1 $0x80;
	s23 =	simm.s32 @!p1 $0x2800;
	s24 =	simm.s32 @!p1 $0x2A00;
	[tilespmem:$0x2970] =	vst @!p1 v0  }
0xcf: {  	[tilespmem:s24], [sflag:$0x1] =	stream.indirect.gather @!p1 [hbm4b:s1+s22], $0x80, s23, s22, $0xb8;
	[tilespmem:$0x1E600] =	vst v63  }
0xd0: {  	_ =	swait.ge [sflag:s17], $0x4000  }
0xd1: {  	[sflag:s17] =	ssyncset.done $0x0  }
0xd2: {  	[sflag:s17] =	ssyncadd.s32 $0xFFFFC000  }
0xd3: {  	[spmem:s3] =	stream.indirect.scatter.add.f32 [tilespmem:s16], [sflag:$0x2], $0x80, s20, s12, $0xb8;
	[tilespmem:$0x1E600] =	vst v63  }
0xd4: {  	_ =	swait.ge [sflag:s19], $0x4000  }
0xd5: {  	s21 =	sadd.s32 $0x1, s21;
	[sflag:s19] =	ssyncset.done $0x0  }
0xd6: {  	p0 =	sne.s32 s21, s9;
	[sflag:s19] =	ssyncadd.s32 $0xFFFFC000  }
.Ltmp1:
0xd7: {  	[bflag:$0x0] =	sbarrier.arrive $0xFFFF;
	(pc) =	sbr.rel @p0 .LBB2_1-.Ltmp1, $4  }
0xd8: {  	[hbm:s8], [sflag:s6] =	dma.local [spmem:s10], $0x2780  }
0xd9: {  	_ =	swait.ge [sflag:s11], $0x2780  }
0xda: {  	[sflag:s11] =	ssyncset.done $0x0  }
0xdb: {  	[sflag:s11] =	ssyncadd.s32 $0xFFFFD880  }
0xdc: {  	_ =	sfence.sel $0x180000  }
0xdd: {  	[bflag:$0x0] =	sbarrier.arrive $0xFFFF  }
0xde: {  	p0 =	sne.s32 s0, $0x0;
	_ =	strace $0x9000004A  }
0xdf: {  	s0 =	sadd.s32 @!p0 $0x100000, s2;
	[bflag:$0x2] =	sbarrier.arrive $0xFFFF  }
0xe0: {  	[sflag:s0] =	ssyncadd.tile.s32 @!p0 $0x1;
	_ =	shalt  }
.Lfunc_end2:
_tile_overlayer_lowered:
.L_overlay_start_2:
0xe1: {  	(tag) =	ssettag $0x2  }
0xe2: {  	s0 =	rddreg [dreg:$0x0];
	s2 =	stileid.u32  }
0xe3: {  	s1 =	rddreg [dreg:$0x1];
	p0 =	sne.s32 s2, $0x0  }
0xe4: {  	s3 =	rddreg [dreg:$0x2];
	[bflag:$0x3] =	sbarrier.arrive $0xFFFF;
	s2 =	simm.s32 @!p0 $0x1C03  }
0xe5: {  	[timem:s3], [sflag:s2] =	dma.local @!p0 [hbm:s0], s1  }
0xe6: {  	s0 =	simm.s32 @!p0 $0x3  }
0xe7: {  	_ =	swait.ge @!p0 [sflag:s0], s1  }
0xe8: {  	s1 =	ssub.s32 @!p0 $0x0, s1;
	[sflag:s0] =	ssyncset.done @!p0 $0x0  }
0xe9: {  	[sflag:s0] =	ssyncadd.s32 @!p0 s1  }
0xea: {  	[bflag:$0x3] =	sbarrier.arrive $0xFFFF  }
0xeb: {  	_ =	shalt  }

</sc_bundles>
